<compile_context>
chip_gen: v7x
topology: tpu7x:2x2x1
jax: 0.10.2.dev20260603
libtpu: 0.0.44.dev20260713+nightly
codegen_flags: <defaults>
</compile_context>

<pallas_src>
import jax
import jax.numpy as jnp
from jax import lax
from jax.experimental import pallas as pl
from jax.experimental.pallas import tpu as pltpu
from jax.experimental.pallas import tpu_sc as plsc

_NUM_FEATURES = 256
_NUM_CLUSTERS = 8192
_EPS = 1e-6

_BT = 2048
_BK = 2048

_SC_CORES = 2
_SC_SUBCORES = 16
_SC_WORKERS = _SC_CORES * _SC_SUBCORES


def _assign_body(x_ref, c_ref, xsq_ref, xsum_ref, csq_ref, csum_ref,
                 lab_ref, val_ref, chunk_ref):
    j = pl.program_id(1)
    nj = pl.num_programs(1)

    @pl.when(j == 0)
    def _():
        val_ref[...] = jnp.full_like(val_ref, jnp.inf)
        chunk_ref[...] = jnp.zeros_like(chunk_ref)

    xb = x_ref[...]
    cb = c_ref[...]
    bk = cb.shape[0]

    cross = lax.dot_general(xb, cb, (((1,), (1,)), ((), ())),
                            preferred_element_type=jnp.float32)

    x_sq = xsq_ref[...]
    x_sum = xsum_ref[...]
    run_val = val_ref[...]
    run_chunk = chunk_ref[...]
    for c in range(bk // 128):
        c_sq = csq_ref[:, pl.ds(c * 128, 128)]
        c_sum = csum_ref[:, pl.ds(c * 128, 128)]
        cr = cross[:, c * 128:(c + 1) * 128]
        sq = x_sq + c_sq - 2.0 * cr + (2.0 * _EPS) * (x_sum - c_sum) \
            + _NUM_FEATURES * _EPS * _EPS
        better = sq < run_val
        run_val = jnp.where(better, sq, run_val)
        run_chunk = jnp.where(better, j * (bk // 128) + c, run_chunk)
    val_ref[...] = run_val
    chunk_ref[...] = run_chunk

    @pl.when(j == nj - 1)
    def _():
        dist = jnp.sqrt(jnp.maximum(val_ref[...], 0.0))
        run_chunk = chunk_ref[...]
        lane = lax.broadcasted_iota(jnp.int32, run_chunk.shape, 1)
        gidx = run_chunk * 128 + lane
        rowmin = jnp.min(dist, axis=1, keepdims=True)
        big = jnp.int32(_NUM_CLUSTERS)
        lab_ref[...] = jnp.min(jnp.where(dist == rowmin, gidx, big),
                               axis=1, keepdims=True)


def _assign_labels(xf, centroids, x_sq, x_sum, c_sq, c_sum):
    n = xf.shape[0]
    k = centroids.shape[0]
    grid = (n // _BT, k // _BK)
    return pl.pallas_call(
        _assign_body,
        grid=grid,
        in_specs=[
            pl.BlockSpec((_BT, _NUM_FEATURES), lambda t, j: (t, 0)),
            pl.BlockSpec((_BK, _NUM_FEATURES), lambda t, j: (j, 0)),
            pl.BlockSpec((_BT, 1), lambda t, j: (t, 0)),
            pl.BlockSpec((_BT, 1), lambda t, j: (t, 0)),
            pl.BlockSpec((1, _BK), lambda t, j: (0, j)),
            pl.BlockSpec((1, _BK), lambda t, j: (0, j)),
        ],
        out_specs=pl.BlockSpec((_BT, 1), lambda t, j: (t, 0)),
        out_shape=jax.ShapeDtypeStruct((n, 1), jnp.int32),
        scratch_shapes=[
            pltpu.VMEM((_BT, 128), jnp.float32),
            pltpu.VMEM((_BT, 128), jnp.int32),
        ],
        compiler_params=pltpu.CompilerParams(
            dimension_semantics=("arbitrary", "arbitrary"),
        ),
    )(xf, centroids, x_sq, x_sum, c_sq, c_sum)


def _gather_body(table_hbm, idx_hbm, out_hbm, idx_v, rows_v, sem):
    wid = lax.axis_index("s") * _SC_CORES + lax.axis_index("c")
    bpw = idx_v.shape[0]
    base = wid * bpw
    pltpu.sync_copy(idx_hbm.at[pl.ds(base, bpw)], idx_v)
    pltpu.async_copy(table_hbm.at[idx_v], rows_v, sem).wait()
    pltpu.sync_copy(rows_v, out_hbm.at[pl.ds(base, bpw)])


def _gather_rows(centroids, labels):
    n = labels.shape[0]
    bpw = n // _SC_WORKERS
    mesh = plsc.VectorSubcoreMesh(core_axis_name="c", subcore_axis_name="s")
    return pl.kernel(
        _gather_body,
        out_type=jax.ShapeDtypeStruct((n, _NUM_FEATURES), jnp.float32),
        mesh=mesh,
        scratch_types=[
            pltpu.VMEM((bpw,), jnp.int32),
            pltpu.VMEM((bpw, _NUM_FEATURES), jnp.float32),
            pltpu.SemaphoreType.DMA,
        ],
    )(centroids, labels)


def kernel(x, centroids):
    batch_shape = x.shape[:-1]
    nf = centroids.shape[-1]
    xf = x.reshape(-1, nf)
    x_sq = jnp.sum(xf * xf, axis=-1, keepdims=True)
    x_sum = jnp.sum(xf, axis=-1, keepdims=True)
    c_sq = jnp.sum(centroids * centroids, axis=-1)[None, :]
    c_sum = jnp.sum(centroids, axis=-1)[None, :]
    labels2d = _assign_labels(xf, centroids, x_sq, x_sum, c_sq, c_sum)
    labels = labels2d.reshape(-1)
    assigned = _gather_rows(centroids, labels)
    return labels.reshape(batch_shape), assigned.reshape(batch_shape + (nf,))

# --- scband reference (transcript-rebuilt; emitter-appended) ---
"""Pipeline reference for scband-kmeans-69509750718469 (READ-ONLY COPY).

The authoritative reference and input builder live on the scoring server;
editing this copy changes nothing except your own understanding.
"""

import jax, jax.numpy as jnp
import numpy as np

NUM_FEATURES = 256
NUM_CLUSTERS = 8192
EPS = 1e-6  # torch nn.functional.pairwise_distance default eps


def setup_inputs(seed: int = 0) -> dict:
    key = jax.random.key(seed)
    k1, k2 = jax.random.split(key)
    x = jax.random.normal(k1, (4, 1024, NUM_FEATURES), dtype=jnp.float32)
    # centroids buffer: in torch it is initialized from the first batch; here we
    # materialize it as a learned parameter of shape (num_clusters, num_features).
    centroids = jax.random.normal(k2, (NUM_CLUSTERS, NUM_FEATURES), dtype=jnp.float32)
    return {"x": x, "centroids": centroids}


def _compute_pairwise_distance(x, centroids, eps=EPS):
    # Faithful to torch pairwise_distance(x - c): ||x - c + eps||_2 elementwise-eps,
    # expanded algebraically to avoid materializing the (B, K, d) tensor:
    # sum((x - c + eps)^2) = ||x||^2 + ||c||^2 - 2 x.c + 2*eps*(sum(x) - sum(c)) + d*eps^2
    d = x.shape[-1]
    x_sq = jnp.sum(x * x, axis=-1, keepdims=True)          # (B, 1)
    c_sq = jnp.sum(centroids * centroids, axis=-1)[None, :] # (1, K)
    cross = x @ centroids.T                                  # (B, K) -- the big matmul
    x_sum = jnp.sum(x, axis=-1, keepdims=True)              # (B, 1)
    c_sum = jnp.sum(centroids, axis=-1)[None, :]            # (1, K)
    sq = x_sq + c_sq - 2.0 * cross + 2.0 * eps * (x_sum - c_sum) + d * eps * eps
    return jnp.sqrt(jnp.maximum(sq, 0.0))


def reference(x, centroids):
    batch_shape = x.shape[:-1]
    nf = centroids.shape[-1]
    xf = x.reshape(-1, nf)
    dist = _compute_pairwise_distance(xf, centroids)
    labels = jnp.argmin(dist, axis=-1)
    assigned = jnp.take(centroids, labels, axis=0)
    labels = labels.reshape(batch_shape)
    assigned = assigned.reshape(batch_shape + (nf,))
    return labels, assigned

if __name__ == "__main__":
    import jax
    _d = setup_inputs()
    print(jax.jit(kernel)(*tuple(_d.values())))

</pallas_src>

<mosaic_0001>
#map = affine_map<(d0, d1) -> (0, 0)>
#map1 = affine_map<(d0, d1) -> (0)>
module attributes {stable_mosaic.version = 14 : i64} {
  func.func @_gather_body(%arg0: i32, %arg1: i32, %arg2: memref<8192x256xf32, #tpu.memory_space<hbm>>, %arg3: memref<4096xi32, #tpu.memory_space<hbm>>, %arg4: memref<4096x256xf32, #tpu.memory_space<hbm>>, %arg5: memref<128xi32, #tpu.memory_space<vmem>>, %arg6: memref<128x256xf32, #tpu.memory_space<vmem>>, %arg7: memref<!tpu.dma_semaphore, #tpu.memory_space<semaphore_mem>>) attributes {dimension_semantics = [#tpu.dimension_semantics<core_parallel>, #tpu.dimension_semantics<subcore_parallel>], iteration_bounds = array<i64: 2, 16>, scalar_prefetch = 0 : i64, scratch_operands = 3 : i64, tpu.core_type = #tpu.core_type<sc_vector_subcore>, window_params = [{transform_indices = #map}, {transform_indices = #map1}, {transform_indices = #map}]} {
    %mul3A = arith.constant 2 : i32
    %mul3A_0 = arith.muli %arg1, %mul3A : i32
    %add3A = arith.addi %mul3A_0, %arg0 : i32
    %mul3A_1 = arith.constant 128 : i32
    %mul3A_2 = arith.muli %add3A, %mul3A_1 : i32
    "tpu.region"() ({
      %run_scoped3A = tpu.sem_alloc : memref<!tpu.dma_semaphore, #tpu.memory_space<semaphore_mem>>
      %dma_start3A_7 = tpu.memref_slice %arg3[%mul3A_2] : memref<4096xi32, #tpu.memory_space<hbm>> -> memref<128xi32, #tpu.memory_space<hbm>>
      %dma_start3A_8 = tpu.memref_slice %arg3[%mul3A_2] : memref<4096xi32, #tpu.memory_space<hbm>> -> memref<128xi32, #tpu.memory_space<hbm>>
      tpu.enqueue_dma source(%dma_start3A_8 : memref<128xi32, #tpu.memory_space<hbm>>) target(%arg5 : memref<128xi32, #tpu.memory_space<vmem>>) target_semaphore(%run_scoped3A : memref<!tpu.dma_semaphore, #tpu.memory_space<semaphore_mem>>)
      %dma_wait3A_9 = tpu.memref_slice %arg3[%mul3A_2] : memref<4096xi32, #tpu.memory_space<hbm>> -> memref<128xi32, #tpu.memory_space<hbm>>
      %dma_wait3A_10 = tpu.memref_slice %arg3[%mul3A_2] : memref<4096xi32, #tpu.memory_space<hbm>> -> memref<128xi32, #tpu.memory_space<hbm>>
      tpu.wait_dma2 semaphore(%run_scoped3A : memref<!tpu.dma_semaphore, #tpu.memory_space<semaphore_mem>>) src(%dma_wait3A_10 : memref<128xi32, #tpu.memory_space<hbm>>) dst(%arg5 : memref<128xi32, #tpu.memory_space<vmem>>)
      tpu.yield
    }) : () -> ()
    %dma_start3A = arith.constant 0 : i32
    %dma_start3A_3 = arith.constant 0 : i32
    %dma_start3A_4 = tpu.memref_slice %arg2[%dma_start3A, %dma_start3A_3] : memref<8192x256xf32, #tpu.memory_space<hbm>> -> memref<8192x256xf32, #tpu.memory_space<hbm>>
    tpu.enqueue_indirect_dma source(%dma_start3A_4 : memref<8192x256xf32, #tpu.memory_space<hbm>>) target(%arg6 : memref<128x256xf32, #tpu.memory_space<vmem>>) offsets(%arg5 : memref<128xi32, #tpu.memory_space<vmem>>) semaphore(%arg7 : memref<!tpu.dma_semaphore, #tpu.memory_space<semaphore_mem>>)
    %dma_wait3A = arith.constant 0 : i32
    %dma_wait3A_5 = arith.constant 0 : i32
    %dma_wait3A_6 = tpu.memref_slice %arg2[%dma_wait3A, %dma_wait3A_5] : memref<8192x256xf32, #tpu.memory_space<hbm>> -> memref<8192x256xf32, #tpu.memory_space<hbm>>
    tpu.wait_indirect_dma semaphore(%arg7 : memref<!tpu.dma_semaphore, #tpu.memory_space<semaphore_mem>>) src(%dma_wait3A_6 : memref<8192x256xf32, #tpu.memory_space<hbm>>) dst(%arg6 : memref<128x256xf32, #tpu.memory_space<vmem>>)
    "tpu.region"() ({
      %run_scoped3A = tpu.sem_alloc : memref<!tpu.dma_semaphore, #tpu.memory_space<semaphore_mem>>
      %dma_start3A_7 = arith.constant 0 : i32
      %dma_start3A_8 = tpu.memref_slice %arg4[%mul3A_2, %dma_start3A_7] : memref<4096x256xf32, #tpu.memory_space<hbm>> -> memref<128x256xf32, #tpu.memory_space<hbm>>
      %dma_start3A_9 = arith.constant 0 : i32
      %dma_start3A_10 = tpu.memref_slice %arg4[%mul3A_2, %dma_start3A_9] : memref<4096x256xf32, #tpu.memory_space<hbm>> -> memref<128x256xf32, #tpu.memory_space<hbm>>
      tpu.enqueue_dma source(%arg6 : memref<128x256xf32, #tpu.memory_space<vmem>>) target(%dma_start3A_10 : memref<128x256xf32, #tpu.memory_space<hbm>>) target_semaphore(%run_scoped3A : memref<!tpu.dma_semaphore, #tpu.memory_space<semaphore_mem>>)
      %dma_wait3A_11 = arith.constant 0 : i32
      %dma_wait3A_12 = tpu.memref_slice %arg4[%mul3A_2, %dma_wait3A_11] : memref<4096x256xf32, #tpu.memory_space<hbm>> -> memref<128x256xf32, #tpu.memory_space<hbm>>
      %dma_wait3A_13 = arith.constant 0 : i32
      %dma_wait3A_14 = tpu.memref_slice %arg4[%mul3A_2, %dma_wait3A_13] : memref<4096x256xf32, #tpu.memory_space<hbm>> -> memref<128x256xf32, #tpu.memory_space<hbm>>
      tpu.wait_dma2 semaphore(%run_scoped3A : memref<!tpu.dma_semaphore, #tpu.memory_space<semaphore_mem>>) src(%arg6 : memref<128x256xf32, #tpu.memory_space<vmem>>) dst(%dma_wait3A_14 : memref<128x256xf32, #tpu.memory_space<hbm>>)
      tpu.yield
    }) : () -> ()
    return
  }
}

module attributes {stable_mosaic.version = 14 : i64} {
  func.func @_assign_body(%arg0: i32, %arg1: i32, %arg2: memref<2048x256xf32, #tpu.memory_space<vmem>>, %arg3: memref<2048x256xf32, #tpu.memory_space<vmem>>, %arg4: memref<2048x1xf32, #tpu.memory_space<vmem>>, %arg5: memref<2048x1xf32, #tpu.memory_space<vmem>>, %arg6: memref<1x2048xf32, #tpu.memory_space<vmem>>, %arg7: memref<1x2048xf32, #tpu.memory_space<vmem>>, %arg8: memref<2048x1xi32, #tpu.memory_space<vmem>>, %arg9: memref<2048x128xf32, #tpu.memory_space<vmem>>, %arg10: memref<2048x128xi32, #tpu.memory_space<vmem>>) attributes {dimension_semantics = [#tpu.dimension_semantics<arbitrary>, #tpu.dimension_semantics<arbitrary>], iteration_bounds = array<i64: 2, 4>, scalar_prefetch = 0 : i64, scratch_operands = 2 : i64, tpu.core_type = #tpu.core_type<tc>, window_params = [{transform_indices = @transform_0, window_bounds = array<i64: 2048, 256>}, {transform_indices = @transform_1, window_bounds = array<i64: 2048, 256>}, {transform_indices = @transform_2, window_bounds = array<i64: 2048, 1>}, {transform_indices = @transform_3, window_bounds = array<i64: 2048, 1>}, {transform_indices = @transform_4, window_bounds = array<i64: 1, 2048>}, {transform_indices = @transform_5, window_bounds = array<i64: 1, 2048>}, {transform_indices = @transform_6, window_bounds = array<i64: 2048, 1>}]} {
    %eq3A = arith.constant 0 : i32
    %eq3A_0 = arith.cmpi eq, %arg1, %eq3A : i32
    %convert_element_type3A = arith.extui %eq3A_0 : i1 to i32
    %cond3A = arith.constant 0 : i32
    %cond3A_1 = arith.cmpi ne, %convert_element_type3A, %cond3A : i32
    scf.if %cond3A_1 {
      %broadcast_in_dim3A_535 = arith.constant 0x7F800000 : f32
      %broadcast_in_dim3A_536 = vector.broadcast %broadcast_in_dim3A_535 : f32 to vector<2048x128xf32>
      %swap3A_537 = arith.constant 0 : index
      %swap3A_538 = arith.constant 0 : index
      %swap3A_539 = vector.load %arg9[%swap3A_537, %swap3A_538] : memref<2048x128xf32, #tpu.memory_space<vmem>>, vector<2048x128xf32>
      tpu.vector_store %arg9[%swap3A_537, %swap3A_538], %broadcast_in_dim3A_536 {strides = array<i32>} : memref<2048x128xf32, #tpu.memory_space<vmem>>, vector<2048x128xf32>,
      %broadcast_in_dim3A_540 = arith.constant 0 : i32
      %broadcast_in_dim3A_541 = vector.broadcast %broadcast_in_dim3A_540 : i32 to vector<2048x128xi32>
      %swap3A_542 = arith.constant 0 : index
      %swap3A_543 = arith.constant 0 : index
      %swap3A_544 = vector.load %arg10[%swap3A_542, %swap3A_543] : memref<2048x128xi32, #tpu.memory_space<vmem>>, vector<2048x128xi32>
      tpu.vector_store %arg10[%swap3A_542, %swap3A_543], %broadcast_in_dim3A_541 {strides = array<i32>} : memref<2048x128xi32, #tpu.memory_space<vmem>>, vector<2048x128xi32>,
    } else {
    }
    %get3A = arith.constant 0 : index
    %get3A_2 = arith.constant 0 : index
    %get3A_3 = vector.load %arg2[%get3A, %get3A_2] : memref<2048x256xf32, #tpu.memory_space<vmem>>, vector<2048x256xf32>
    %get3A_4 = arith.constant 0 : index
    %get3A_5 = arith.constant 0 : index
    %get3A_6 = vector.load %arg3[%get3A_4, %get3A_5] : memref<2048x256xf32, #tpu.memory_space<vmem>>, vector<2048x256xf32>
    %dot_general3A = arith.constant dense<0.000000e+00> : vector<2048x2048xf32>
    %dot_general3A_7 = tpu.matmul %get3A_3, %get3A_6, %dot_general3A {dimension_numbers = #tpu.dot_dimension_numbers<[1], [1], [0], [0], [0, 0, 1, 0], [], []>, transpose_lhs_hint = false} : vector<2048x256xf32>, vector<2048x256xf32>, vector<2048x2048xf32> -> vector<2048x2048xf32>
    %get3A_8 = arith.constant 0 : index
    %get3A_9 = arith.constant 0 : index
    %get3A_10 = vector.load %arg4[%get3A_8, %get3A_9] : memref<2048x1xf32, #tpu.memory_space<vmem>>, vector<2048x1xf32>
    %get3A_11 = arith.constant 0 : index
    %get3A_12 = arith.constant 0 : index
    %get3A_13 = vector.load %arg5[%get3A_11, %get3A_12] : memref<2048x1xf32, #tpu.memory_space<vmem>>, vector<2048x1xf32>
    %get3A_14 = arith.constant 0 : index
    %get3A_15 = arith.constant 0 : index
    %get3A_16 = vector.load %arg9[%get3A_14, %get3A_15] : memref<2048x128xf32, #tpu.memory_space<vmem>>, vector<2048x128xf32>
    %get3A_17 = arith.constant 0 : index
    %get3A_18 = arith.constant 0 : index
    %get3A_19 = vector.load %arg10[%get3A_17, %get3A_18] : memref<2048x128xi32, #tpu.memory_space<vmem>>, vector<2048x128xi32>
    %get3A_20 = arith.constant 0 : index
    %get3A_21 = arith.constant 0 : index
    %get3A_22 = vector.load %arg6[%get3A_20, %get3A_21] : memref<1x2048xf32, #tpu.memory_space<vmem>>, vector<1x128xf32>
    %get3A_23 = arith.constant 0 : index
    %get3A_24 = arith.constant 0 : index
    %get3A_25 = vector.load %arg7[%get3A_23, %get3A_24] : memref<1x2048xf32, #tpu.memory_space<vmem>>, vector<1x128xf32>
    %slice3A = vector.extract_strided_slice %dot_general3A_7 {offsets = [0, 0], sizes = [2048, 128], strides = [1, 1]} : vector<2048x2048xf32> to vector<2048x128xf32>
    %add3A = vector.broadcast %get3A_10 : vector<2048x1xf32> to vector<2048x128xf32>
    %add3A_26 = vector.broadcast %get3A_22 : vector<1x128xf32> to vector<2048x128xf32>
    %add3A_27 = arith.addf %add3A, %add3A_26 : vector<2048x128xf32>
    %mul3A = arith.constant 2.000000e+00 : f32
    %mul3A_28 = vector.broadcast %mul3A : f32 to vector<2048x128xf32>
    %mul3A_29 = arith.mulf %mul3A_28, %slice3A : vector<2048x128xf32>
    %sub3A = arith.subf %add3A_27, %mul3A_29 : vector<2048x128xf32>
    %sub3A_30 = vector.broadcast %get3A_13 : vector<2048x1xf32> to vector<2048x128xf32>
    %sub3A_31 = vector.broadcast %get3A_25 : vector<1x128xf32> to vector<2048x128xf32>
    %sub3A_32 = arith.subf %sub3A_30, %sub3A_31 : vector<2048x128xf32>
    %mul3A_33 = arith.constant 2.000000e-06 : f32
    %mul3A_34 = vector.broadcast %mul3A_33 : f32 to vector<2048x128xf32>
    %mul3A_35 = arith.mulf %mul3A_34, %sub3A_32 : vector<2048x128xf32>
    %add3A_36 = arith.addf %sub3A, %mul3A_35 : vector<2048x128xf32>
    %add3A_37 = arith.constant 2.560000e-10 : f32
    %add3A_38 = vector.broadcast %add3A_37 : f32 to vector<2048x128xf32>
    %add3A_39 = arith.addf %add3A_36, %add3A_38 : vector<2048x128xf32>
    %lt3A = arith.cmpf olt, %add3A_39, %get3A_16 : vector<2048x128xf32>
    %select_n3A = arith.select %lt3A, %add3A_39, %get3A_16 : vector<2048x128xi1>, vector<2048x128xf32>
    %mul3A_40 = arith.constant 16 : i32
    %mul3A_41 = arith.muli %arg1, %mul3A_40 : i32
    %add3A_42 = arith.constant 0 : i32
    %add3A_43 = arith.addi %mul3A_41, %add3A_42 : i32
    %broadcast_in_dim3A = vector.broadcast %add3A_43 : i32 to vector<2048x128xi32>
    %select_n3A_44 = arith.select %lt3A, %broadcast_in_dim3A, %get3A_19 : vector<2048x128xi1>, vector<2048x128xi32>
    %get3A_45 = arith.constant 0 : index
    %get3A_46 = arith.constant 128 : index
    %get3A_47 = vector.load %arg6[%get3A_45, %get3A_46] : memref<1x2048xf32, #tpu.memory_space<vmem>>, vector<1x128xf32>
    %get3A_48 = arith.constant 0 : index
    %get3A_49 = arith.constant 128 : index
    %get3A_50 = vector.load %arg7[%get3A_48, %get3A_49] : memref<1x2048xf32, #tpu.memory_space<vmem>>, vector<1x128xf32>
    %slice3A_51 = vector.extract_strided_slice %dot_general3A_7 {offsets = [0, 128], sizes = [2048, 128], strides = [1, 1]} : vector<2048x2048xf32> to vector<2048x128xf32>
    %add3A_52 = vector.broadcast %get3A_10 : vector<2048x1xf32> to vector<2048x128xf32>
    %add3A_53 = vector.broadcast %get3A_47 : vector<1x128xf32> to vector<2048x128xf32>
    %add3A_54 = arith.addf %add3A_52, %add3A_53 : vector<2048x128xf32>
    %mul3A_55 = arith.constant 2.000000e+00 : f32
    %mul3A_56 = vector.broadcast %mul3A_55 : f32 to vector<2048x128xf32>
    %mul3A_57 = arith.mulf %mul3A_56, %slice3A_51 : vector<2048x128xf32>
    %sub3A_58 = arith.subf %add3A_54, %mul3A_57 : vector<2048x128xf32>
    %sub3A_59 = vector.broadcast %get3A_13 : vector<2048x1xf32> to vector<2048x128xf32>
    %sub3A_60 = vector.broadcast %get3A_50 : vector<1x128xf32> to vector<2048x128xf32>
    %sub3A_61 = arith.subf %sub3A_59, %sub3A_60 : vector<2048x128xf32>
    %mul3A_62 = arith.constant 2.000000e-06 : f32
    %mul3A_63 = vector.broadcast %mul3A_62 : f32 to vector<2048x128xf32>
    %mul3A_64 = arith.mulf %mul3A_63, %sub3A_61 : vector<2048x128xf32>
    %add3A_65 = arith.addf %sub3A_58, %mul3A_64 : vector<2048x128xf32>
    %add3A_66 = arith.constant 2.560000e-10 : f32
    %add3A_67 = vector.broadcast %add3A_66 : f32 to vector<2048x128xf32>
    %add3A_68 = arith.addf %add3A_65, %add3A_67 : vector<2048x128xf32>
    %lt3A_69 = arith.cmpf olt, %add3A_68, %select_n3A : vector<2048x128xf32>
    %select_n3A_70 = arith.select %lt3A_69, %add3A_68, %select_n3A : vector<2048x128xi1>, vector<2048x128xf32>
    %mul3A_71 = arith.constant 16 : i32
    %mul3A_72 = arith.muli %arg1, %mul3A_71 : i32
    %add3A_73 = arith.constant 1 : i32
    %add3A_74 = arith.addi %mul3A_72, %add3A_73 : i32
    %broadcast_in_dim3A_75 = vector.broadcast %add3A_74 : i32 to vector<2048x128xi32>
    %select_n3A_76 = arith.select %lt3A_69, %broadcast_in_dim3A_75, %select_n3A_44 : vector<2048x128xi1>, vector<2048x128xi32>
    %get3A_77 = arith.constant 0 : index
    %get3A_78 = arith.constant 256 : index
    %get3A_79 = vector.load %arg6[%get3A_77, %get3A_78] : memref<1x2048xf32, #tpu.memory_space<vmem>>, vector<1x128xf32>
    %get3A_80 = arith.constant 0 : index
    %get3A_81 = arith.constant 256 : index
    %get3A_82 = vector.load %arg7[%get3A_80, %get3A_81] : memref<1x2048xf32, #tpu.memory_space<vmem>>, vector<1x128xf32>
    %slice3A_83 = vector.extract_strided_slice %dot_general3A_7 {offsets = [0, 256], sizes = [2048, 128], strides = [1, 1]} : vector<2048x2048xf32> to vector<2048x128xf32>
    %add3A_84 = vector.broadcast %get3A_10 : vector<2048x1xf32> to vector<2048x128xf32>
    %add3A_85 = vector.broadcast %get3A_79 : vector<1x128xf32> to vector<2048x128xf32>
    %add3A_86 = arith.addf %add3A_84, %add3A_85 : vector<2048x128xf32>
    %mul3A_87 = arith.constant 2.000000e+00 : f32
    %mul3A_88 = vector.broadcast %mul3A_87 : f32 to vector<2048x128xf32>
    %mul3A_89 = arith.mulf %mul3A_88, %slice3A_83 : vector<2048x128xf32>
    %sub3A_90 = arith.subf %add3A_86, %mul3A_89 : vector<2048x128xf32>
    %sub3A_91 = vector.broadcast %get3A_13 : vector<2048x1xf32> to vector<2048x128xf32>
    %sub3A_92 = vector.broadcast %get3A_82 : vector<1x128xf32> to vector<2048x128xf32>
    %sub3A_93 = arith.subf %sub3A_91, %sub3A_92 : vector<2048x128xf32>
    %mul3A_94 = arith.constant 2.000000e-06 : f32
    %mul3A_95 = vector.broadcast %mul3A_94 : f32 to vector<2048x128xf32>
    %mul3A_96 = arith.mulf %mul3A_95, %sub3A_93 : vector<2048x128xf32>
    %add3A_97 = arith.addf %sub3A_90, %mul3A_96 : vector<2048x128xf32>
    %add3A_98 = arith.constant 2.560000e-10 : f32
    %add3A_99 = vector.broadcast %add3A_98 : f32 to vector<2048x128xf32>
    %add3A_100 = arith.addf %add3A_97, %add3A_99 : vector<2048x128xf32>
    %lt3A_101 = arith.cmpf olt, %add3A_100, %select_n3A_70 : vector<2048x128xf32>
    %select_n3A_102 = arith.select %lt3A_101, %add3A_100, %select_n3A_70 : vector<2048x128xi1>, vector<2048x128xf32>
    %mul3A_103 = arith.constant 16 : i32
    %mul3A_104 = arith.muli %arg1, %mul3A_103 : i32
    %add3A_105 = arith.constant 2 : i32
    %add3A_106 = arith.addi %mul3A_104, %add3A_105 : i32
    %broadcast_in_dim3A_107 = vector.broadcast %add3A_106 : i32 to vector<2048x128xi32>
    %select_n3A_108 = arith.select %lt3A_101, %broadcast_in_dim3A_107, %select_n3A_76 : vector<2048x128xi1>, vector<2048x128xi32>
    %get3A_109 = arith.constant 0 : index
    %get3A_110 = arith.constant 384 : index
    %get3A_111 = vector.load %arg6[%get3A_109, %get3A_110] : memref<1x2048xf32, #tpu.memory_space<vmem>>, vector<1x128xf32>
    %get3A_112 = arith.constant 0 : index
    %get3A_113 = arith.constant 384 : index
    %get3A_114 = vector.load %arg7[%get3A_112, %get3A_113] : memref<1x2048xf32, #tpu.memory_space<vmem>>, vector<1x128xf32>
    %slice3A_115 = vector.extract_strided_slice %dot_general3A_7 {offsets = [0, 384], sizes = [2048, 128], strides = [1, 1]} : vector<2048x2048xf32> to vector<2048x128xf32>
    %add3A_116 = vector.broadcast %get3A_10 : vector<2048x1xf32> to vector<2048x128xf32>
    %add3A_117 = vector.broadcast %get3A_111 : vector<1x128xf32> to vector<2048x128xf32>
    %add3A_118 = arith.addf %add3A_116, %add3A_117 : vector<2048x128xf32>
    %mul3A_119 = arith.constant 2.000000e+00 : f32
    %mul3A_120 = vector.broadcast %mul3A_119 : f32 to vector<2048x128xf32>
    %mul3A_121 = arith.mulf %mul3A_120, %slice3A_115 : vector<2048x128xf32>
    %sub3A_122 = arith.subf %add3A_118, %mul3A_121 : vector<2048x128xf32>
    %sub3A_123 = vector.broadcast %get3A_13 : vector<2048x1xf32> to vector<2048x128xf32>
    %sub3A_124 = vector.broadcast %get3A_114 : vector<1x128xf32> to vector<2048x128xf32>
    %sub3A_125 = arith.subf %sub3A_123, %sub3A_124 : vector<2048x128xf32>
    %mul3A_126 = arith.constant 2.000000e-06 : f32
    %mul3A_127 = vector.broadcast %mul3A_126 : f32 to vector<2048x128xf32>
    %mul3A_128 = arith.mulf %mul3A_127, %sub3A_125 : vector<2048x128xf32>
    %add3A_129 = arith.addf %sub3A_122, %mul3A_128 : vector<2048x128xf32>
    %add3A_130 = arith.constant 2.560000e-10 : f32
    %add3A_131 = vector.broadcast %add3A_130 : f32 to vector<2048x128xf32>
    %add3A_132 = arith.addf %add3A_129, %add3A_131 : vector<2048x128xf32>
    %lt3A_133 = arith.cmpf olt, %add3A_132, %select_n3A_102 : vector<2048x128xf32>
    %select_n3A_134 = arith.select %lt3A_133, %add3A_132, %select_n3A_102 : vector<2048x128xi1>, vector<2048x128xf32>
    %mul3A_135 = arith.constant 16 : i32
    %mul3A_136 = arith.muli %arg1, %mul3A_135 : i32
    %add3A_137 = arith.constant 3 : i32
    %add3A_138 = arith.addi %mul3A_136, %add3A_137 : i32
    %broadcast_in_dim3A_139 = vector.broadcast %add3A_138 : i32 to vector<2048x128xi32>
    %select_n3A_140 = arith.select %lt3A_133, %broadcast_in_dim3A_139, %select_n3A_108 : vector<2048x128xi1>, vector<2048x128xi32>
    %get3A_141 = arith.constant 0 : index
    %get3A_142 = arith.constant 512 : index
    %get3A_143 = vector.load %arg6[%get3A_141, %get3A_142] : memref<1x2048xf32, #tpu.memory_space<vmem>>, vector<1x128xf32>
    %get3A_144 = arith.constant 0 : index
    %get3A_145 = arith.constant 512 : index
    %get3A_146 = vector.load %arg7[%get3A_144, %get3A_145] : memref<1x2048xf32, #tpu.memory_space<vmem>>, vector<1x128xf32>
    %slice3A_147 = vector.extract_strided_slice %dot_general3A_7 {offsets = [0, 512], sizes = [2048, 128], strides = [1, 1]} : vector<2048x2048xf32> to vector<2048x128xf32>
    %add3A_148 = vector.broadcast %get3A_10 : vector<2048x1xf32> to vector<2048x128xf32>
    %add3A_149 = vector.broadcast %get3A_143 : vector<1x128xf32> to vector<2048x128xf32>
    %add3A_150 = arith.addf %add3A_148, %add3A_149 : vector<2048x128xf32>
    %mul3A_151 = arith.constant 2.000000e+00 : f32
    %mul3A_152 = vector.broadcast %mul3A_151 : f32 to vector<2048x128xf32>
    %mul3A_153 = arith.mulf %mul3A_152, %slice3A_147 : vector<2048x128xf32>
    %sub3A_154 = arith.subf %add3A_150, %mul3A_153 : vector<2048x128xf32>
    %sub3A_155 = vector.broadcast %get3A_13 : vector<2048x1xf32> to vector<2048x128xf32>
    %sub3A_156 = vector.broadcast %get3A_146 : vector<1x128xf32> to vector<2048x128xf32>
    %sub3A_157 = arith.subf %sub3A_155, %sub3A_156 : vector<2048x128xf32>
    %mul3A_158 = arith.constant 2.000000e-06 : f32
    %mul3A_159 = vector.broadcast %mul3A_158 : f32 to vector<2048x128xf32>
    %mul3A_160 = arith.mulf %mul3A_159, %sub3A_157 : vector<2048x128xf32>
    %add3A_161 = arith.addf %sub3A_154, %mul3A_160 : vector<2048x128xf32>
    %add3A_162 = arith.constant 2.560000e-10 : f32
    %add3A_163 = vector.broadcast %add3A_162 : f32 to vector<2048x128xf32>
    %add3A_164 = arith.addf %add3A_161, %add3A_163 : vector<2048x128xf32>
    %lt3A_165 = arith.cmpf olt, %add3A_164, %select_n3A_134 : vector<2048x128xf32>
    %select_n3A_166 = arith.select %lt3A_165, %add3A_164, %select_n3A_134 : vector<2048x128xi1>, vector<2048x128xf32>
    %mul3A_167 = arith.constant 16 : i32
    %mul3A_168 = arith.muli %arg1, %mul3A_167 : i32
    %add3A_169 = arith.constant 4 : i32
    %add3A_170 = arith.addi %mul3A_168, %add3A_169 : i32
    %broadcast_in_dim3A_171 = vector.broadcast %add3A_170 : i32 to vector<2048x128xi32>
    %select_n3A_172 = arith.select %lt3A_165, %broadcast_in_dim3A_171, %select_n3A_140 : vector<2048x128xi1>, vector<2048x128xi32>
    %get3A_173 = arith.constant 0 : index
    %get3A_174 = arith.constant 640 : index
    %get3A_175 = vector.load %arg6[%get3A_173, %get3A_174] : memref<1x2048xf32, #tpu.memory_space<vmem>>, vector<1x128xf32>
    %get3A_176 = arith.constant 0 : index
    %get3A_177 = arith.constant 640 : index
    %get3A_178 = vector.load %arg7[%get3A_176, %get3A_177] : memref<1x2048xf32, #tpu.memory_space<vmem>>, vector<1x128xf32>
    %slice3A_179 = vector.extract_strided_slice %dot_general3A_7 {offsets = [0, 640], sizes = [2048, 128], strides = [1, 1]} : vector<2048x2048xf32> to vector<2048x128xf32>
    %add3A_180 = vector.broadcast %get3A_10 : vector<2048x1xf32> to vector<2048x128xf32>
    %add3A_181 = vector.broadcast %get3A_175 : vector<1x128xf32> to vector<2048x128xf32>
    %add3A_182 = arith.addf %add3A_180, %add3A_181 : vector<2048x128xf32>
    %mul3A_183 = arith.constant 2.000000e+00 : f32
    %mul3A_184 = vector.broadcast %mul3A_183 : f32 to vector<2048x128xf32>
    %mul3A_185 = arith.mulf %mul3A_184, %slice3A_179 : vector<2048x128xf32>
    %sub3A_186 = arith.subf %add3A_182, %mul3A_185 : vector<2048x128xf32>
    %sub3A_187 = vector.broadcast %get3A_13 : vector<2048x1xf32> to vector<2048x128xf32>
    %sub3A_188 = vector.broadcast %get3A_178 : vector<1x128xf32> to vector<2048x128xf32>
    %sub3A_189 = arith.subf %sub3A_187, %sub3A_188 : vector<2048x128xf32>
    %mul3A_190 = arith.constant 2.000000e-06 : f32
    %mul3A_191 = vector.broadcast %mul3A_190 : f32 to vector<2048x128xf32>
    %mul3A_192 = arith.mulf %mul3A_191, %sub3A_189 : vector<2048x128xf32>
    %add3A_193 = arith.addf %sub3A_186, %mul3A_192 : vector<2048x128xf32>
    %add3A_194 = arith.constant 2.560000e-10 : f32
    %add3A_195 = vector.broadcast %add3A_194 : f32 to vector<2048x128xf32>
    %add3A_196 = arith.addf %add3A_193, %add3A_195 : vector<2048x128xf32>
    %lt3A_197 = arith.cmpf olt, %add3A_196, %select_n3A_166 : vector<2048x128xf32>
    %select_n3A_198 = arith.select %lt3A_197, %add3A_196, %select_n3A_166 : vector<2048x128xi1>, vector<2048x128xf32>
    %mul3A_199 = arith.constant 16 : i32
    %mul3A_200 = arith.muli %arg1, %mul3A_199 : i32
    %add3A_201 = arith.constant 5 : i32
    %add3A_202 = arith.addi %mul3A_200, %add3A_201 : i32
    %broadcast_in_dim3A_203 = vector.broadcast %add3A_202 : i32 to vector<2048x128xi32>
    %select_n3A_204 = arith.select %lt3A_197, %broadcast_in_dim3A_203, %select_n3A_172 : vector<2048x128xi1>, vector<2048x128xi32>
    %get3A_205 = arith.constant 0 : index
    %get3A_206 = arith.constant 768 : index
    %get3A_207 = vector.load %arg6[%get3A_205, %get3A_206] : memref<1x2048xf32, #tpu.memory_space<vmem>>, vector<1x128xf32>
    %get3A_208 = arith.constant 0 : index
    %get3A_209 = arith.constant 768 : index
    %get3A_210 = vector.load %arg7[%get3A_208, %get3A_209] : memref<1x2048xf32, #tpu.memory_space<vmem>>, vector<1x128xf32>
    %slice3A_211 = vector.extract_strided_slice %dot_general3A_7 {offsets = [0, 768], sizes = [2048, 128], strides = [1, 1]} : vector<2048x2048xf32> to vector<2048x128xf32>
    %add3A_212 = vector.broadcast %get3A_10 : vector<2048x1xf32> to vector<2048x128xf32>
    %add3A_213 = vector.broadcast %get3A_207 : vector<1x128xf32> to vector<2048x128xf32>
    %add3A_214 = arith.addf %add3A_212, %add3A_213 : vector<2048x128xf32>
    %mul3A_215 = arith.constant 2.000000e+00 : f32
    %mul3A_216 = vector.broadcast %mul3A_215 : f32 to vector<2048x128xf32>
    %mul3A_217 = arith.mulf %mul3A_216, %slice3A_211 : vector<2048x128xf32>
    %sub3A_218 = arith.subf %add3A_214, %mul3A_217 : vector<2048x128xf32>
    %sub3A_219 = vector.broadcast %get3A_13 : vector<2048x1xf32> to vector<2048x128xf32>
    %sub3A_220 = vector.broadcast %get3A_210 : vector<1x128xf32> to vector<2048x128xf32>
    %sub3A_221 = arith.subf %sub3A_219, %sub3A_220 : vector<2048x128xf32>
    %mul3A_222 = arith.constant 2.000000e-06 : f32
    %mul3A_223 = vector.broadcast %mul3A_222 : f32 to vector<2048x128xf32>
    %mul3A_224 = arith.mulf %mul3A_223, %sub3A_221 : vector<2048x128xf32>
    %add3A_225 = arith.addf %sub3A_218, %mul3A_224 : vector<2048x128xf32>
    %add3A_226 = arith.constant 2.560000e-10 : f32
    %add3A_227 = vector.broadcast %add3A_226 : f32 to vector<2048x128xf32>
    %add3A_228 = arith.addf %add3A_225, %add3A_227 : vector<2048x128xf32>
    %lt3A_229 = arith.cmpf olt, %add3A_228, %select_n3A_198 : vector<2048x128xf32>
    %select_n3A_230 = arith.select %lt3A_229, %add3A_228, %select_n3A_198 : vector<2048x128xi1>, vector<2048x128xf32>
    %mul3A_231 = arith.constant 16 : i32
    %mul3A_232 = arith.muli %arg1, %mul3A_231 : i32
    %add3A_233 = arith.constant 6 : i32
    %add3A_234 = arith.addi %mul3A_232, %add3A_233 : i32
    %broadcast_in_dim3A_235 = vector.broadcast %add3A_234 : i32 to vector<2048x128xi32>
    %select_n3A_236 = arith.select %lt3A_229, %broadcast_in_dim3A_235, %select_n3A_204 : vector<2048x128xi1>, vector<2048x128xi32>
    %get3A_237 = arith.constant 0 : index
    %get3A_238 = arith.constant 896 : index
    %get3A_239 = vector.load %arg6[%get3A_237, %get3A_238] : memref<1x2048xf32, #tpu.memory_space<vmem>>, vector<1x128xf32>
    %get3A_240 = arith.constant 0 : index
    %get3A_241 = arith.constant 896 : index
    %get3A_242 = vector.load %arg7[%get3A_240, %get3A_241] : memref<1x2048xf32, #tpu.memory_space<vmem>>, vector<1x128xf32>
    %slice3A_243 = vector.extract_strided_slice %dot_general3A_7 {offsets = [0, 896], sizes = [2048, 128], strides = [1, 1]} : vector<2048x2048xf32> to vector<2048x128xf32>
    %add3A_244 = vector.broadcast %get3A_10 : vector<2048x1xf32> to vector<2048x128xf32>
    %add3A_245 = vector.broadcast %get3A_239 : vector<1x128xf32> to vector<2048x128xf32>
    %add3A_246 = arith.addf %add3A_244, %add3A_245 : vector<2048x128xf32>
    %mul3A_247 = arith.constant 2.000000e+00 : f32
    %mul3A_248 = vector.broadcast %mul3A_247 : f32 to vector<2048x128xf32>
    %mul3A_249 = arith.mulf %mul3A_248, %slice3A_243 : vector<2048x128xf32>
    %sub3A_250 = arith.subf %add3A_246, %mul3A_249 : vector<2048x128xf32>
    %sub3A_251 = vector.broadcast %get3A_13 : vector<2048x1xf32> to vector<2048x128xf32>
    %sub3A_252 = vector.broadcast %get3A_242 : vector<1x128xf32> to vector<2048x128xf32>
    %sub3A_253 = arith.subf %sub3A_251, %sub3A_252 : vector<2048x128xf32>
    %mul3A_254 = arith.constant 2.000000e-06 : f32
    %mul3A_255 = vector.broadcast %mul3A_254 : f32 to vector<2048x128xf32>
    %mul3A_256 = arith.mulf %mul3A_255, %sub3A_253 : vector<2048x128xf32>
    %add3A_257 = arith.addf %sub3A_250, %mul3A_256 : vector<2048x128xf32>
    %add3A_258 = arith.constant 2.560000e-10 : f32
    %add3A_259 = vector.broadcast %add3A_258 : f32 to vector<2048x128xf32>
    %add3A_260 = arith.addf %add3A_257, %add3A_259 : vector<2048x128xf32>
    %lt3A_261 = arith.cmpf olt, %add3A_260, %select_n3A_230 : vector<2048x128xf32>
    %select_n3A_262 = arith.select %lt3A_261, %add3A_260, %select_n3A_230 : vector<2048x128xi1>, vector<2048x128xf32>
    %mul3A_263 = arith.constant 16 : i32
    %mul3A_264 = arith.muli %arg1, %mul3A_263 : i32
    %add3A_265 = arith.constant 7 : i32
    %add3A_266 = arith.addi %mul3A_264, %add3A_265 : i32
    %broadcast_in_dim3A_267 = vector.broadcast %add3A_266 : i32 to vector<2048x128xi32>
    %select_n3A_268 = arith.select %lt3A_261, %broadcast_in_dim3A_267, %select_n3A_236 : vector<2048x128xi1>, vector<2048x128xi32>
    %get3A_269 = arith.constant 0 : index
    %get3A_270 = arith.constant 1024 : index
    %get3A_271 = vector.load %arg6[%get3A_269, %get3A_270] : memref<1x2048xf32, #tpu.memory_space<vmem>>, vector<1x128xf32>
    %get3A_272 = arith.constant 0 : index
    %get3A_273 = arith.constant 1024 : index
    %get3A_274 = vector.load %arg7[%get3A_272, %get3A_273] : memref<1x2048xf32, #tpu.memory_space<vmem>>, vector<1x128xf32>
    %slice3A_275 = vector.extract_strided_slice %dot_general3A_7 {offsets = [0, 1024], sizes = [2048, 128], strides = [1, 1]} : vector<2048x2048xf32> to vector<2048x128xf32>
    %add3A_276 = vector.broadcast %get3A_10 : vector<2048x1xf32> to vector<2048x128xf32>
    %add3A_277 = vector.broadcast %get3A_271 : vector<1x128xf32> to vector<2048x128xf32>
    %add3A_278 = arith.addf %add3A_276, %add3A_277 : vector<2048x128xf32>
    %mul3A_279 = arith.constant 2.000000e+00 : f32
    %mul3A_280 = vector.broadcast %mul3A_279 : f32 to vector<2048x128xf32>
    %mul3A_281 = arith.mulf %mul3A_280, %slice3A_275 : vector<2048x128xf32>
    %sub3A_282 = arith.subf %add3A_278, %mul3A_281 : vector<2048x128xf32>
    %sub3A_283 = vector.broadcast %get3A_13 : vector<2048x1xf32> to vector<2048x128xf32>
    %sub3A_284 = vector.broadcast %get3A_274 : vector<1x128xf32> to vector<2048x128xf32>
    %sub3A_285 = arith.subf %sub3A_283, %sub3A_284 : vector<2048x128xf32>
    %mul3A_286 = arith.constant 2.000000e-06 : f32
    %mul3A_287 = vector.broadcast %mul3A_286 : f32 to vector<2048x128xf32>
    %mul3A_288 = arith.mulf %mul3A_287, %sub3A_285 : vector<2048x128xf32>
    %add3A_289 = arith.addf %sub3A_282, %mul3A_288 : vector<2048x128xf32>
    %add3A_290 = arith.constant 2.560000e-10 : f32
    %add3A_291 = vector.broadcast %add3A_290 : f32 to vector<2048x128xf32>
    %add3A_292 = arith.addf %add3A_289, %add3A_291 : vector<2048x128xf32>
    %lt3A_293 = arith.cmpf olt, %add3A_292, %select_n3A_262 : vector<2048x128xf32>
    %select_n3A_294 = arith.select %lt3A_293, %add3A_292, %select_n3A_262 : vector<2048x128xi1>, vector<2048x128xf32>
    %mul3A_295 = arith.constant 16 : i32
    %mul3A_296 = arith.muli %arg1, %mul3A_295 : i32
    %add3A_297 = arith.constant 8 : i32
    %add3A_298 = arith.addi %mul3A_296, %add3A_297 : i32
    %broadcast_in_dim3A_299 = vector.broadcast %add3A_298 : i32 to vector<2048x128xi32>
    %select_n3A_300 = arith.select %lt3A_293, %broadcast_in_dim3A_299, %select_n3A_268 : vector<2048x128xi1>, vector<2048x128xi32>
    %get3A_301 = arith.constant 0 : index
    %get3A_302 = arith.constant 1152 : index
    %get3A_303 = vector.load %arg6[%get3A_301, %get3A_302] : memref<1x2048xf32, #tpu.memory_space<vmem>>, vector<1x128xf32>
    %get3A_304 = arith.constant 0 : index
    %get3A_305 = arith.constant 1152 : index
    %get3A_306 = vector.load %arg7[%get3A_304, %get3A_305] : memref<1x2048xf32, #tpu.memory_space<vmem>>, vector<1x128xf32>
    %slice3A_307 = vector.extract_strided_slice %dot_general3A_7 {offsets = [0, 1152], sizes = [2048, 128], strides = [1, 1]} : vector<2048x2048xf32> to vector<2048x128xf32>
    %add3A_308 = vector.broadcast %get3A_10 : vector<2048x1xf32> to vector<2048x128xf32>
    %add3A_309 = vector.broadcast %get3A_303 : vector<1x128xf32> to vector<2048x128xf32>
    %add3A_310 = arith.addf %add3A_308, %add3A_309 : vector<2048x128xf32>
    %mul3A_311 = arith.constant 2.000000e+00 : f32
    %mul3A_312 = vector.broadcast %mul3A_311 : f32 to vector<2048x128xf32>
    %mul3A_313 = arith.mulf %mul3A_312, %slice3A_307 : vector<2048x128xf32>
    %sub3A_314 = arith.subf %add3A_310, %mul3A_313 : vector<2048x128xf32>
    %sub3A_315 = vector.broadcast %get3A_13 : vector<2048x1xf32> to vector<2048x128xf32>
    %sub3A_316 = vector.broadcast %get3A_306 : vector<1x128xf32> to vector<2048x128xf32>
    %sub3A_317 = arith.subf %sub3A_315, %sub3A_316 : vector<2048x128xf32>
    %mul3A_318 = arith.constant 2.000000e-06 : f32
    %mul3A_319 = vector.broadcast %mul3A_318 : f32 to vector<2048x128xf32>
    %mul3A_320 = arith.mulf %mul3A_319, %sub3A_317 : vector<2048x128xf32>
    %add3A_321 = arith.addf %sub3A_314, %mul3A_320 : vector<2048x128xf32>
    %add3A_322 = arith.constant 2.560000e-10 : f32
    %add3A_323 = vector.broadcast %add3A_322 : f32 to vector<2048x128xf32>
    %add3A_324 = arith.addf %add3A_321, %add3A_323 : vector<2048x128xf32>
    %lt3A_325 = arith.cmpf olt, %add3A_324, %select_n3A_294 : vector<2048x128xf32>
    %select_n3A_326 = arith.select %lt3A_325, %add3A_324, %select_n3A_294 : vector<2048x128xi1>, vector<2048x128xf32>
    %mul3A_327 = arith.constant 16 : i32
    %mul3A_328 = arith.muli %arg1, %mul3A_327 : i32
    %add3A_329 = arith.constant 9 : i32
    %add3A_330 = arith.addi %mul3A_328, %add3A_329 : i32
    %broadcast_in_dim3A_331 = vector.broadcast %add3A_330 : i32 to vector<2048x128xi32>
    %select_n3A_332 = arith.select %lt3A_325, %broadcast_in_dim3A_331, %select_n3A_300 : vector<2048x128xi1>, vector<2048x128xi32>
    %get3A_333 = arith.constant 0 : index
    %get3A_334 = arith.constant 1280 : index
    %get3A_335 = vector.load %arg6[%get3A_333, %get3A_334] : memref<1x2048xf32, #tpu.memory_space<vmem>>, vector<1x128xf32>
    %get3A_336 = arith.constant 0 : index
    %get3A_337 = arith.constant 1280 : index
    %get3A_338 = vector.load %arg7[%get3A_336, %get3A_337] : memref<1x2048xf32, #tpu.memory_space<vmem>>, vector<1x128xf32>
    %slice3A_339 = vector.extract_strided_slice %dot_general3A_7 {offsets = [0, 1280], sizes = [2048, 128], strides = [1, 1]} : vector<2048x2048xf32> to vector<2048x128xf32>
    %add3A_340 = vector.broadcast %get3A_10 : vector<2048x1xf32> to vector<2048x128xf32>
    %add3A_341 = vector.broadcast %get3A_335 : vector<1x128xf32> to vector<2048x128xf32>
    %add3A_342 = arith.addf %add3A_340, %add3A_341 : vector<2048x128xf32>
    %mul3A_343 = arith.constant 2.000000e+00 : f32
    %mul3A_344 = vector.broadcast %mul3A_343 : f32 to vector<2048x128xf32>
    %mul3A_345 = arith.mulf %mul3A_344, %slice3A_339 : vector<2048x128xf32>
    %sub3A_346 = arith.subf %add3A_342, %mul3A_345 : vector<2048x128xf32>
    %sub3A_347 = vector.broadcast %get3A_13 : vector<2048x1xf32> to vector<2048x128xf32>
    %sub3A_348 = vector.broadcast %get3A_338 : vector<1x128xf32> to vector<2048x128xf32>
    %sub3A_349 = arith.subf %sub3A_347, %sub3A_348 : vector<2048x128xf32>
    %mul3A_350 = arith.constant 2.000000e-06 : f32
    %mul3A_351 = vector.broadcast %mul3A_350 : f32 to vector<2048x128xf32>
    %mul3A_352 = arith.mulf %mul3A_351, %sub3A_349 : vector<2048x128xf32>
    %add3A_353 = arith.addf %sub3A_346, %mul3A_352 : vector<2048x128xf32>
    %add3A_354 = arith.constant 2.560000e-10 : f32
    %add3A_355 = vector.broadcast %add3A_354 : f32 to vector<2048x128xf32>
    %add3A_356 = arith.addf %add3A_353, %add3A_355 : vector<2048x128xf32>
    %lt3A_357 = arith.cmpf olt, %add3A_356, %select_n3A_326 : vector<2048x128xf32>
    %select_n3A_358 = arith.select %lt3A_357, %add3A_356, %select_n3A_326 : vector<2048x128xi1>, vector<2048x128xf32>
    %mul3A_359 = arith.constant 16 : i32
    %mul3A_360 = arith.muli %arg1, %mul3A_359 : i32
    %add3A_361 = arith.constant 10 : i32
    %add3A_362 = arith.addi %mul3A_360, %add3A_361 : i32
    %broadcast_in_dim3A_363 = vector.broadcast %add3A_362 : i32 to vector<2048x128xi32>
    %select_n3A_364 = arith.select %lt3A_357, %broadcast_in_dim3A_363, %select_n3A_332 : vector<2048x128xi1>, vector<2048x128xi32>
    %get3A_365 = arith.constant 0 : index
    %get3A_366 = arith.constant 1408 : index
    %get3A_367 = vector.load %arg6[%get3A_365, %get3A_366] : memref<1x2048xf32, #tpu.memory_space<vmem>>, vector<1x128xf32>
    %get3A_368 = arith.constant 0 : index
    %get3A_369 = arith.constant 1408 : index
    %get3A_370 = vector.load %arg7[%get3A_368, %get3A_369] : memref<1x2048xf32, #tpu.memory_space<vmem>>, vector<1x128xf32>
    %slice3A_371 = vector.extract_strided_slice %dot_general3A_7 {offsets = [0, 1408], sizes = [2048, 128], strides = [1, 1]} : vector<2048x2048xf32> to vector<2048x128xf32>
    %add3A_372 = vector.broadcast %get3A_10 : vector<2048x1xf32> to vector<2048x128xf32>
    %add3A_373 = vector.broadcast %get3A_367 : vector<1x128xf32> to vector<2048x128xf32>
    %add3A_374 = arith.addf %add3A_372, %add3A_373 : vector<2048x128xf32>
    %mul3A_375 = arith.constant 2.000000e+00 : f32
    %mul3A_376 = vector.broadcast %mul3A_375 : f32 to vector<2048x128xf32>
    %mul3A_377 = arith.mulf %mul3A_376, %slice3A_371 : vector<2048x128xf32>
    %sub3A_378 = arith.subf %add3A_374, %mul3A_377 : vector<2048x128xf32>
    %sub3A_379 = vector.broadcast %get3A_13 : vector<2048x1xf32> to vector<2048x128xf32>
    %sub3A_380 = vector.broadcast %get3A_370 : vector<1x128xf32> to vector<2048x128xf32>
    %sub3A_381 = arith.subf %sub3A_379, %sub3A_380 : vector<2048x128xf32>
    %mul3A_382 = arith.constant 2.000000e-06 : f32
    %mul3A_383 = vector.broadcast %mul3A_382 : f32 to vector<2048x128xf32>
    %mul3A_384 = arith.mulf %mul3A_383, %sub3A_381 : vector<2048x128xf32>
    %add3A_385 = arith.addf %sub3A_378, %mul3A_384 : vector<2048x128xf32>
    %add3A_386 = arith.constant 2.560000e-10 : f32
    %add3A_387 = vector.broadcast %add3A_386 : f32 to vector<2048x128xf32>
    %add3A_388 = arith.addf %add3A_385, %add3A_387 : vector<2048x128xf32>
    %lt3A_389 = arith.cmpf olt, %add3A_388, %select_n3A_358 : vector<2048x128xf32>
    %select_n3A_390 = arith.select %lt3A_389, %add3A_388, %select_n3A_358 : vector<2048x128xi1>, vector<2048x128xf32>
    %mul3A_391 = arith.constant 16 : i32
    %mul3A_392 = arith.muli %arg1, %mul3A_391 : i32
    %add3A_393 = arith.constant 11 : i32
    %add3A_394 = arith.addi %mul3A_392, %add3A_393 : i32
    %broadcast_in_dim3A_395 = vector.broadcast %add3A_394 : i32 to vector<2048x128xi32>
    %select_n3A_396 = arith.select %lt3A_389, %broadcast_in_dim3A_395, %select_n3A_364 : vector<2048x128xi1>, vector<2048x128xi32>
    %get3A_397 = arith.constant 0 : index
    %get3A_398 = arith.constant 1536 : index
    %get3A_399 = vector.load %arg6[%get3A_397, %get3A_398] : memref<1x2048xf32, #tpu.memory_space<vmem>>, vector<1x128xf32>
    %get3A_400 = arith.constant 0 : index
    %get3A_401 = arith.constant 1536 : index
    %get3A_402 = vector.load %arg7[%get3A_400, %get3A_401] : memref<1x2048xf32, #tpu.memory_space<vmem>>, vector<1x128xf32>
    %slice3A_403 = vector.extract_strided_slice %dot_general3A_7 {offsets = [0, 1536], sizes = [2048, 128], strides = [1, 1]} : vector<2048x2048xf32> to vector<2048x128xf32>
    %add3A_404 = vector.broadcast %get3A_10 : vector<2048x1xf32> to vector<2048x128xf32>
    %add3A_405 = vector.broadcast %get3A_399 : vector<1x128xf32> to vector<2048x128xf32>
    %add3A_406 = arith.addf %add3A_404, %add3A_405 : vector<2048x128xf32>
    %mul3A_407 = arith.constant 2.000000e+00 : f32
    %mul3A_408 = vector.broadcast %mul3A_407 : f32 to vector<2048x128xf32>
    %mul3A_409 = arith.mulf %mul3A_408, %slice3A_403 : vector<2048x128xf32>
    %sub3A_410 = arith.subf %add3A_406, %mul3A_409 : vector<2048x128xf32>
    %sub3A_411 = vector.broadcast %get3A_13 : vector<2048x1xf32> to vector<2048x128xf32>
    %sub3A_412 = vector.broadcast %get3A_402 : vector<1x128xf32> to vector<2048x128xf32>
    %sub3A_413 = arith.subf %sub3A_411, %sub3A_412 : vector<2048x128xf32>
    %mul3A_414 = arith.constant 2.000000e-06 : f32
    %mul3A_415 = vector.broadcast %mul3A_414 : f32 to vector<2048x128xf32>
    %mul3A_416 = arith.mulf %mul3A_415, %sub3A_413 : vector<2048x128xf32>
    %add3A_417 = arith.addf %sub3A_410, %mul3A_416 : vector<2048x128xf32>
    %add3A_418 = arith.constant 2.560000e-10 : f32
    %add3A_419 = vector.broadcast %add3A_418 : f32 to vector<2048x128xf32>
    %add3A_420 = arith.addf %add3A_417, %add3A_419 : vector<2048x128xf32>
    %lt3A_421 = arith.cmpf olt, %add3A_420, %select_n3A_390 : vector<2048x128xf32>
    %select_n3A_422 = arith.select %lt3A_421, %add3A_420, %select_n3A_390 : vector<2048x128xi1>, vector<2048x128xf32>
    %mul3A_423 = arith.constant 16 : i32
    %mul3A_424 = arith.muli %arg1, %mul3A_423 : i32
    %add3A_425 = arith.constant 12 : i32
    %add3A_426 = arith.addi %mul3A_424, %add3A_425 : i32
    %broadcast_in_dim3A_427 = vector.broadcast %add3A_426 : i32 to vector<2048x128xi32>
    %select_n3A_428 = arith.select %lt3A_421, %broadcast_in_dim3A_427, %select_n3A_396 : vector<2048x128xi1>, vector<2048x128xi32>
    %get3A_429 = arith.constant 0 : index
    %get3A_430 = arith.constant 1664 : index
    %get3A_431 = vector.load %arg6[%get3A_429, %get3A_430] : memref<1x2048xf32, #tpu.memory_space<vmem>>, vector<1x128xf32>
    %get3A_432 = arith.constant 0 : index
    %get3A_433 = arith.constant 1664 : index
    %get3A_434 = vector.load %arg7[%get3A_432, %get3A_433] : memref<1x2048xf32, #tpu.memory_space<vmem>>, vector<1x128xf32>
    %slice3A_435 = vector.extract_strided_slice %dot_general3A_7 {offsets = [0, 1664], sizes = [2048, 128], strides = [1, 1]} : vector<2048x2048xf32> to vector<2048x128xf32>
    %add3A_436 = vector.broadcast %get3A_10 : vector<2048x1xf32> to vector<2048x128xf32>
    %add3A_437 = vector.broadcast %get3A_431 : vector<1x128xf32> to vector<2048x128xf32>
    %add3A_438 = arith.addf %add3A_436, %add3A_437 : vector<2048x128xf32>
    %mul3A_439 = arith.constant 2.000000e+00 : f32
    %mul3A_440 = vector.broadcast %mul3A_439 : f32 to vector<2048x128xf32>
    %mul3A_441 = arith.mulf %mul3A_440, %slice3A_435 : vector<2048x128xf32>
    %sub3A_442 = arith.subf %add3A_438, %mul3A_441 : vector<2048x128xf32>
    %sub3A_443 = vector.broadcast %get3A_13 : vector<2048x1xf32> to vector<2048x128xf32>
    %sub3A_444 = vector.broadcast %get3A_434 : vector<1x128xf32> to vector<2048x128xf32>
    %sub3A_445 = arith.subf %sub3A_443, %sub3A_444 : vector<2048x128xf32>
    %mul3A_446 = arith.constant 2.000000e-06 : f32
    %mul3A_447 = vector.broadcast %mul3A_446 : f32 to vector<2048x128xf32>
    %mul3A_448 = arith.mulf %mul3A_447, %sub3A_445 : vector<2048x128xf32>
    %add3A_449 = arith.addf %sub3A_442, %mul3A_448 : vector<2048x128xf32>
    %add3A_450 = arith.constant 2.560000e-10 : f32
    %add3A_451 = vector.broadcast %add3A_450 : f32 to vector<2048x128xf32>
    %add3A_452 = arith.addf %add3A_449, %add3A_451 : vector<2048x128xf32>
    %lt3A_453 = arith.cmpf olt, %add3A_452, %select_n3A_422 : vector<2048x128xf32>
    %select_n3A_454 = arith.select %lt3A_453, %add3A_452, %select_n3A_422 : vector<2048x128xi1>, vector<2048x128xf32>
    %mul3A_455 = arith.constant 16 : i32
    %mul3A_456 = arith.muli %arg1, %mul3A_455 : i32
    %add3A_457 = arith.constant 13 : i32
    %add3A_458 = arith.addi %mul3A_456, %add3A_457 : i32
    %broadcast_in_dim3A_459 = vector.broadcast %add3A_458 : i32 to vector<2048x128xi32>
    %select_n3A_460 = arith.select %lt3A_453, %broadcast_in_dim3A_459, %select_n3A_428 : vector<2048x128xi1>, vector<2048x128xi32>
    %get3A_461 = arith.constant 0 : index
    %get3A_462 = arith.constant 1792 : index
    %get3A_463 = vector.load %arg6[%get3A_461, %get3A_462] : memref<1x2048xf32, #tpu.memory_space<vmem>>, vector<1x128xf32>
    %get3A_464 = arith.constant 0 : index
    %get3A_465 = arith.constant 1792 : index
    %get3A_466 = vector.load %arg7[%get3A_464, %get3A_465] : memref<1x2048xf32, #tpu.memory_space<vmem>>, vector<1x128xf32>
    %slice3A_467 = vector.extract_strided_slice %dot_general3A_7 {offsets = [0, 1792], sizes = [2048, 128], strides = [1, 1]} : vector<2048x2048xf32> to vector<2048x128xf32>
    %add3A_468 = vector.broadcast %get3A_10 : vector<2048x1xf32> to vector<2048x128xf32>
    %add3A_469 = vector.broadcast %get3A_463 : vector<1x128xf32> to vector<2048x128xf32>
    %add3A_470 = arith.addf %add3A_468, %add3A_469 : vector<2048x128xf32>
    %mul3A_471 = arith.constant 2.000000e+00 : f32
    %mul3A_472 = vector.broadcast %mul3A_471 : f32 to vector<2048x128xf32>
    %mul3A_473 = arith.mulf %mul3A_472, %slice3A_467 : vector<2048x128xf32>
    %sub3A_474 = arith.subf %add3A_470, %mul3A_473 : vector<2048x128xf32>
    %sub3A_475 = vector.broadcast %get3A_13 : vector<2048x1xf32> to vector<2048x128xf32>
    %sub3A_476 = vector.broadcast %get3A_466 : vector<1x128xf32> to vector<2048x128xf32>
    %sub3A_477 = arith.subf %sub3A_475, %sub3A_476 : vector<2048x128xf32>
    %mul3A_478 = arith.constant 2.000000e-06 : f32
    %mul3A_479 = vector.broadcast %mul3A_478 : f32 to vector<2048x128xf32>
    %mul3A_480 = arith.mulf %mul3A_479, %sub3A_477 : vector<2048x128xf32>
    %add3A_481 = arith.addf %sub3A_474, %mul3A_480 : vector<2048x128xf32>
    %add3A_482 = arith.constant 2.560000e-10 : f32
    %add3A_483 = vector.broadcast %add3A_482 : f32 to vector<2048x128xf32>
    %add3A_484 = arith.addf %add3A_481, %add3A_483 : vector<2048x128xf32>
    %lt3A_485 = arith.cmpf olt, %add3A_484, %select_n3A_454 : vector<2048x128xf32>
    %select_n3A_486 = arith.select %lt3A_485, %add3A_484, %select_n3A_454 : vector<2048x128xi1>, vector<2048x128xf32>
    %mul3A_487 = arith.constant 16 : i32
    %mul3A_488 = arith.muli %arg1, %mul3A_487 : i32
    %add3A_489 = arith.constant 14 : i32
    %add3A_490 = arith.addi %mul3A_488, %add3A_489 : i32
    %broadcast_in_dim3A_491 = vector.broadcast %add3A_490 : i32 to vector<2048x128xi32>
    %select_n3A_492 = arith.select %lt3A_485, %broadcast_in_dim3A_491, %select_n3A_460 : vector<2048x128xi1>, vector<2048x128xi32>
    %get3A_493 = arith.constant 0 : index
    %get3A_494 = arith.constant 1920 : index
    %get3A_495 = vector.load %arg6[%get3A_493, %get3A_494] : memref<1x2048xf32, #tpu.memory_space<vmem>>, vector<1x128xf32>
    %get3A_496 = arith.constant 0 : index
    %get3A_497 = arith.constant 1920 : index
    %get3A_498 = vector.load %arg7[%get3A_496, %get3A_497] : memref<1x2048xf32, #tpu.memory_space<vmem>>, vector<1x128xf32>
    %slice3A_499 = vector.extract_strided_slice %dot_general3A_7 {offsets = [0, 1920], sizes = [2048, 128], strides = [1, 1]} : vector<2048x2048xf32> to vector<2048x128xf32>
    %add3A_500 = vector.broadcast %get3A_10 : vector<2048x1xf32> to vector<2048x128xf32>
    %add3A_501 = vector.broadcast %get3A_495 : vector<1x128xf32> to vector<2048x128xf32>
    %add3A_502 = arith.addf %add3A_500, %add3A_501 : vector<2048x128xf32>
    %mul3A_503 = arith.constant 2.000000e+00 : f32
    %mul3A_504 = vector.broadcast %mul3A_503 : f32 to vector<2048x128xf32>
    %mul3A_505 = arith.mulf %mul3A_504, %slice3A_499 : vector<2048x128xf32>
    %sub3A_506 = arith.subf %add3A_502, %mul3A_505 : vector<2048x128xf32>
    %sub3A_507 = vector.broadcast %get3A_13 : vector<2048x1xf32> to vector<2048x128xf32>
    %sub3A_508 = vector.broadcast %get3A_498 : vector<1x128xf32> to vector<2048x128xf32>
    %sub3A_509 = arith.subf %sub3A_507, %sub3A_508 : vector<2048x128xf32>
    %mul3A_510 = arith.constant 2.000000e-06 : f32
    %mul3A_511 = vector.broadcast %mul3A_510 : f32 to vector<2048x128xf32>
    %mul3A_512 = arith.mulf %mul3A_511, %sub3A_509 : vector<2048x128xf32>
    %add3A_513 = arith.addf %sub3A_506, %mul3A_512 : vector<2048x128xf32>
    %add3A_514 = arith.constant 2.560000e-10 : f32
    %add3A_515 = vector.broadcast %add3A_514 : f32 to vector<2048x128xf32>
    %add3A_516 = arith.addf %add3A_513, %add3A_515 : vector<2048x128xf32>
    %lt3A_517 = arith.cmpf olt, %add3A_516, %select_n3A_486 : vector<2048x128xf32>
    %select_n3A_518 = arith.select %lt3A_517, %add3A_516, %select_n3A_486 : vector<2048x128xi1>, vector<2048x128xf32>
    %mul3A_519 = arith.constant 16 : i32
    %mul3A_520 = arith.muli %arg1, %mul3A_519 : i32
    %add3A_521 = arith.constant 15 : i32
    %add3A_522 = arith.addi %mul3A_520, %add3A_521 : i32
    %broadcast_in_dim3A_523 = vector.broadcast %add3A_522 : i32 to vector<2048x128xi32>
    %select_n3A_524 = arith.select %lt3A_517, %broadcast_in_dim3A_523, %select_n3A_492 : vector<2048x128xi1>, vector<2048x128xi32>
    %swap3A = arith.constant 0 : index
    %swap3A_525 = arith.constant 0 : index
    %swap3A_526 = vector.load %arg9[%swap3A, %swap3A_525] : memref<2048x128xf32, #tpu.memory_space<vmem>>, vector<2048x128xf32>
    tpu.vector_store %arg9[%swap3A, %swap3A_525], %select_n3A_518 {strides = array<i32>} : memref<2048x128xf32, #tpu.memory_space<vmem>>, vector<2048x128xf32>,
    %swap3A_527 = arith.constant 0 : index
    %swap3A_528 = arith.constant 0 : index
    %swap3A_529 = vector.load %arg10[%swap3A_527, %swap3A_528] : memref<2048x128xi32, #tpu.memory_space<vmem>>, vector<2048x128xi32>
    tpu.vector_store %arg10[%swap3A_527, %swap3A_528], %select_n3A_524 {strides = array<i32>} : memref<2048x128xi32, #tpu.memory_space<vmem>>, vector<2048x128xi32>,
    %eq3A_530 = arith.constant 3 : i32
    %eq3A_531 = arith.cmpi eq, %arg1, %eq3A_530 : i32
    %convert_element_type3A_532 = arith.extui %eq3A_531 : i1 to i32
    %cond3A_533 = arith.constant 0 : i32
    %cond3A_534 = arith.cmpi ne, %convert_element_type3A_532, %cond3A_533 : i32
    scf.if %cond3A_534 {
      %get3A_535 = arith.constant 0 : index
      %get3A_536 = arith.constant 0 : index
      %get3A_537 = vector.load %arg9[%get3A_535, %get3A_536] : memref<2048x128xf32, #tpu.memory_space<vmem>>, vector<2048x128xf32>
      %max3A = arith.constant 0.000000e+00 : f32
      %max3A_538 = vector.broadcast %max3A : f32 to vector<2048x128xf32>
      %max3A_539 = arith.maximumf %get3A_537, %max3A_538 : vector<2048x128xf32>
      %sqrt3A = math.sqrt %max3A_539 : vector<2048x128xf32>
      %get3A_540 = arith.constant 0 : index
      %get3A_541 = arith.constant 0 : index
      %get3A_542 = vector.load %arg10[%get3A_540, %get3A_541] : memref<2048x128xi32, #tpu.memory_space<vmem>>, vector<2048x128xi32>
      %iota3A = tpu.iota {dimensions = array<i32: 1>} : vector<2048x128xi32>
      %mul3A_543 = arith.constant 128 : i32
      %mul3A_544 = vector.broadcast %mul3A_543 : i32 to vector<2048x128xi32>
      %mul3A_545 = arith.muli %get3A_542, %mul3A_544 : vector<2048x128xi32>
      %add3A_546 = arith.addi %mul3A_545, %iota3A : vector<2048x128xi32>
      %reduce_min3A = arith.constant dense<0x7F800000> : vector<2048xf32>
      %reduce_min3A_547 = vector.multi_reduction <minimumf>, %sqrt3A, %reduce_min3A [1] : vector<2048x128xf32> to vector<2048xf32>
      %broadcast_in_dim3A_548 = vector.shape_cast %reduce_min3A_547 : vector<2048xf32> to vector<2048x1xf32>
      %eq3A_549 = vector.broadcast %broadcast_in_dim3A_548 : vector<2048x1xf32> to vector<2048x128xf32>
      %eq3A_550 = arith.cmpf oeq, %sqrt3A, %eq3A_549 : vector<2048x128xf32>
      %jit3A = arith.constant 8192 : i32
      %broadcast_in_dim3A_551 = vector.broadcast %jit3A : i32 to vector<2048x128xi32>
      %select_n3A_552 = arith.select %eq3A_550, %add3A_546, %broadcast_in_dim3A_551 : vector<2048x128xi1>, vector<2048x128xi32>
      %reduce_min3A_553 = arith.constant dense<2147483647> : vector<2048xi32>
      %reduce_min3A_554 = vector.multi_reduction <minsi>, %select_n3A_552, %reduce_min3A_553 [1] : vector<2048x128xi32> to vector<2048xi32>
      %broadcast_in_dim3A_555 = vector.shape_cast %reduce_min3A_554 : vector<2048xi32> to vector<2048x1xi32>
      %swap3A_556 = arith.constant 0 : index
      %swap3A_557 = arith.constant 0 : index
      %swap3A_558 = vector.load %arg8[%swap3A_556, %swap3A_557] : memref<2048x1xi32, #tpu.memory_space<vmem>>, vector<2048x1xi32>
      tpu.vector_store %arg8[%swap3A_556, %swap3A_557], %broadcast_in_dim3A_555 {strides = array<i32>} : memref<2048x1xi32, #tpu.memory_space<vmem>>, vector<2048x1xi32>,
    } else {
    }
    return
  }
  func.func @transform_0(%arg0: i32, %arg1: i32) -> (i32, i32) {
    %c0_i32 = arith.constant 0 : i32
    %c0_i32_0 = arith.constant 0 : i32
    return %arg0, %c0_i32 : i32, i32
  }
  func.func @transform_1(%arg0: i32, %arg1: i32) -> (i32, i32) {
    %c0_i32 = arith.constant 0 : i32
    %c0_i32_0 = arith.constant 0 : i32
    return %arg1, %c0_i32 : i32, i32
  }
  func.func @transform_2(%arg0: i32, %arg1: i32) -> (i32, i32) {
    %c0_i32 = arith.constant 0 : i32
    %c0_i32_0 = arith.constant 0 : i32
    return %arg0, %c0_i32 : i32, i32
  }
  func.func @transform_3(%arg0: i32, %arg1: i32) -> (i32, i32) {
    %c0_i32 = arith.constant 0 : i32
    %c0_i32_0 = arith.constant 0 : i32
    return %arg0, %c0_i32 : i32, i32
  }
  func.func @transform_4(%arg0: i32, %arg1: i32) -> (i32, i32) {
    %c0_i32 = arith.constant 0 : i32
    %c0_i32_0 = arith.constant 0 : i32
    return %c0_i32, %arg1 : i32, i32
  }
  func.func @transform_5(%arg0: i32, %arg1: i32) -> (i32, i32) {
    %c0_i32 = arith.constant 0 : i32
    %c0_i32_0 = arith.constant 0 : i32
    return %c0_i32, %arg1 : i32, i32
  }
  func.func @transform_6(%arg0: i32, %arg1: i32) -> (i32, i32) {
    %c0_i32 = arith.constant 0 : i32
    %c0_i32_0 = arith.constant 0 : i32
    return %arg0, %c0_i32 : i32, i32
  }
}

</mosaic_0001>

<sc_bundles>
// kernel: kernel.4.cloned.1.call-start
scs
__scs_entry_jumppad:
0x0: {  	(pc) =	sbr.rel $0x88, $3  }
0x1: {  	(tag) =	ssettag $0x0;
	lr =	simm.s32 $0x1  }
0x2: {  	[smem:$0x3F9F] =	sst lr;
	_ =	strace $0xD0000000  }
0x3: {  	_ = 	snop  }
0x4: {  	_ = 	snop  }
0x5: {  	_ = 	snop  }
0x6: {  	_ = 	snop  }
0x7: {  	_ = 	snop  }
__scs_overlays_trampoline_lowered:
0x8: {  	[smem:$0x3FAE] =	sst s0  }
0x9: {  	[smem:$0x3FAF] =	sst s1  }
0xa: {  	[smem:$0x3FB0] =	sst s2  }
0xb: {  	[smem:$0x3FB1] =	sst s3  }
0xc: {  	[smem:$0x3FB2] =	sst s4  }
0xd: {  	[smem:$0x3FB3] =	sst s5  }
0xe: {  	[smem:$0x3FB4] =	sst s6  }
0xf: {  	[smem:$0x3FB5] =	sst s7  }
0x10: {  	[smem:$0x3FB6] =	sst s8  }
0x11: {  	[smem:$0x3FB7] =	sst s9;
	s0 =	simm.s32 @!p0 $0x0  }
0x12: {  	s1 =	sld [smem:$0x3F9D];
	s0 =	simm.s32 @p0 $0x1  }
0x13: {  	[smem:$0x3FB8] =	sst s0;
	s0 =	simm.s32 @!p1 $0x0  }
0x14: {  	s2 =	sld [smem:$0x3F9C];
	s0 =	simm.s32 @p1 $0x1  }
0x15: {  	[smem:$0x3FB9] =	sst s0;
	s0 =	simm.s32 @!p2 $0x0  }
0x16: {  	s3 =	sld [smem:$0x3FDB];
	s0 =	simm.s32 @p2 $0x1  }
0x17: {  	s4 =	simm.s32 $0x1BF5;
	[smem:$0x3FBB] =	sst s0  }
0x18: {  	s0 =	sld [smem:$0x3F9E];
	_ =	swait.ge [sflag:s4], $0x0  }
0x19: {  	s7 =	sld [smem:$0x3F9F]  }
0x1a: {  	s8 =	sadd.s32 $0xFFFFE003, lr  }
0x1b: {  	s9 =	sadd.s32 $0xFFFFFEF7, lr;
	s5 =	simm.s32 $0xFFFFFFFF;
	p2 =	slt.u32 s8, $0xFFFFF086  }
0x1c: {  	p1 =	slt.u32 s9, $0xF7A;
	s5 =	simm.s32 @!p2 $0x0  }
0x1d: {  	s5 =	simm.s32 @p1 $0x1;
	p0 =	seq.s32 s7, s2  }
0x1e: {  	s7 =	smul.u32 @!p0 $0xF7A, s2;
	p2 =	seq.s32 @!p0 s5, $0x0  }
0x1f: {  	s9 =	smul.u32 $0xF7A, s1;
	s8 =	simm.s32 @!p0 $0x1BF5;
	p2 =	por !p2, p0  }
0x20: {  	[sflag:s8] =	ssyncset.s32 @!p0 $0xFFFFF086;
	s6 =	sadd.s32 @!p0 s3, s7;
	s7 =	simm.s32 @!p0 $0x108  }
0x21: {  	s3 =	sadd.s32 s3, s9;
	s6 =	sadd.s32 @!p0 $0x88, s6;
	s7 =	simm.s32 @p2 $0x1082  }
0x22: {  	[simem:s7], [sflag:s8] =	dma.local @!p0 [hbm:s6], $0xF7A  }
0x23: {  	s9 =	sor.u32 $0xD0000000, s2;
	s6 =	simm.s32 $0x108;
	_ =	swait.ge @!p0 [sflag:s8], $0x0  }
0x24: {  	s3 =	sadd.s32 $0x88, s3;
	s6 =	simm.s32 @!p1 $0x1082;
	[sflag:s4] =	ssyncset.s32 $0xFFFFF086  }
0x25: {  	[simem:s6], [sflag:s4] =	dma.local [hbm:s3], $0xF7A  }
0x26: {  	[smem:$0x3F9F] =	sst s1;
	(tag) =	ssettag s2;
	_ =	strace s9  }
0x27: {  	s1 =	sld [smem:$0x3FAF]  }
0x28: {  	s2 =	sld [smem:$0x3FB0]  }
0x29: {  	s4 =	sld [smem:$0x3FB2]  }
0x2a: {  	p0 =	seq.s32 s5, $0x0;
	s5 =	sld [smem:$0x3FB3]  }
0x2b: {  	s6 =	sld [smem:$0x3FB4]  }
0x2c: {  	s7 =	sld [smem:$0x3FB5]  }
0x2d: {  	s3 =	simm.s32 $0x108;
	s8 =	sld [smem:$0x3FB6]  }
0x2e: {  	s3 =	simm.s32 @!p0 $0x1082;
	s9 =	sld [smem:$0x3FB7]  }
0x2f: {  	lr =	sadd.s32 s0, s3;
	s0 =	sld [smem:$0x3FAE]  }
0x30: {  	s3 =	sld [smem:$0x3FB1]  }
0x31: {  	[smem:$0x3FBA] =	sst s10  }
0x32: {  	s10 =	sld [smem:$0x3FB8];
	_ =	sdelay $0x3  }
0x33: {  	p0 =	seq.s32 s10, $0x1;
	s10 =	sld [smem:$0x3FBA];
	_ =	sdelay $0x3  }
0x34: {  	[smem:$0x3FBA] =	sst s10  }
0x35: {  	s10 =	sld [smem:$0x3FB9];
	_ =	sdelay $0x3  }
0x36: {  	p1 =	seq.s32 s10, $0x1;
	s10 =	sld [smem:$0x3FBA];
	_ =	sdelay $0x3  }
0x37: {  	[smem:$0x3FBA] =	sst s10  }
0x38: {  	s10 =	sld [smem:$0x3FBB]  }
0x39: {  	_ = 	snop;
	(pc) =	sbr.ind lr, $3  }
0x3a: {  	_ = 	snop  }
0x3b: {  	_ = 	snop  }
0x3c: {  	p2 =	seq.s32 s10, $0x1;
	s10 =	sld [smem:$0x3FBA]  }
0x3d: {  	_ =	shalt  }
0x3e: {  	_ =	shalt  }
0x3f: {  	_ =	shalt  }
0x40: {  	_ =	shalt  }
0x41: {  	_ =	shalt  }
0x42: {  	_ =	shalt  }
0x43: {  	_ =	shalt  }
0x44: {  	_ =	shalt  }
0x45: {  	_ =	shalt  }
0x46: {  	_ =	shalt  }
0x47: {  	_ =	shalt  }
0x48: {  	_ =	shalt  }
0x49: {  	_ =	shalt  }
0x4a: {  	_ =	shalt  }
0x4b: {  	_ =	shalt  }
0x4c: {  	_ =	shalt  }
0x4d: {  	_ =	shalt  }
0x4e: {  	_ =	shalt  }
0x4f: {  	_ =	shalt  }
0x50: {  	_ =	shalt  }
0x51: {  	_ =	shalt  }
0x52: {  	_ =	shalt  }
0x53: {  	_ =	shalt  }
0x54: {  	_ =	shalt  }
0x55: {  	_ =	shalt  }
0x56: {  	_ =	shalt  }
0x57: {  	_ =	shalt  }
0x58: {  	_ =	shalt  }
0x59: {  	_ =	shalt  }
0x5a: {  	_ =	shalt  }
0x5b: {  	_ =	shalt  }
0x5c: {  	_ =	shalt  }
0x5d: {  	_ =	shalt  }
0x5e: {  	_ =	shalt  }
0x5f: {  	_ =	shalt  }
0x60: {  	_ =	shalt  }
0x61: {  	_ =	shalt  }
0x62: {  	_ =	shalt  }
0x63: {  	_ =	shalt  }
0x64: {  	_ =	shalt  }
0x65: {  	_ =	shalt  }
0x66: {  	_ =	shalt  }
0x67: {  	_ =	shalt  }
0x68: {  	_ =	shalt  }
0x69: {  	_ =	shalt  }
0x6a: {  	_ =	shalt  }
0x6b: {  	_ =	shalt  }
0x6c: {  	_ =	shalt  }
0x6d: {  	_ =	shalt  }
0x6e: {  	_ =	shalt  }
0x6f: {  	_ =	shalt  }
0x70: {  	_ =	shalt  }
0x71: {  	_ =	shalt  }
0x72: {  	_ =	shalt  }
0x73: {  	_ =	shalt  }
0x74: {  	_ =	shalt  }
0x75: {  	_ =	shalt  }
0x76: {  	_ =	shalt  }
0x77: {  	_ =	shalt  }
0x78: {  	_ =	shalt  }
0x79: {  	_ =	shalt  }
0x7a: {  	_ =	shalt  }
0x7b: {  	_ =	shalt  }
0x7c: {  	_ =	shalt  }
0x7d: {  	_ =	shalt  }
0x7e: {  	_ =	shalt  }
0x7f: {  	_ =	shalt  }
0x80: {  	_ =	shalt  }
0x81: {  	_ =	shalt  }
0x82: {  	_ =	shalt  }
0x83: {  	_ =	shalt  }
0x84: {  	_ =	shalt  }
0x85: {  	_ =	shalt  }
0x86: {  	_ =	shalt  }
0x87: {  	_ =	shalt  }
.Lfunc_end0:
.L_simem_size_0:
called_computation_lowered:
.L_overlay_start_0:
0x88: {  	s2 =	sld [smem:$0x3FD9]  }
0x89: {  	s3 =	sld [smem:$0x3FFE];
	_ =	sdelay $0x1  }
0x8a: {  	s1 =	srdreg.scid  }
0x8b: {  	s0 =	sand.u32 $0x1, s1  }
0x8c: {  	s14 =	sshll.u32 s0, $0xA;
	s2 =	sadd.s32 s3, s2  }
0x8d: {  	s2 =	sadd.s32 s2, s14  }
0x8e: {  	[smem:$0x3FC6] =	sst s2  }
0x8f: {  	_ = 	snop  }
0x90: {  	s2 =	sld [smem:$0x3FD0];
	_ =	sdelay $0x2  }
0x91: {  	s4 =	simm.s32 $0xA;
	s5 =	simm.s32 $0x10;
	s15 =	sld [smem:$0x3FC8]  }
0x92: {  	[smem:s5], [sflag:s4] =	dma.local [hbm:s2], $0x1  }
0x93: {  	_ =	swait.eq [sflag:s4], $0x1  }
0x94: {  	[sflag:s4] =	ssyncset.done $0x0  }
0x95: {  	[sflag:s4] =	ssyncadd.s32 $0xFFFFFFFF  }
0x96: {  	s16 =	sld [smem:$0x11];
	(tm) =	ssettm $0x1  }
0x97: {  	s17 =	sld [smem:$0x3FFB];
	_ =	sdelay $0x3  }
0x98: {  	_ =	strace s17  }
0x99: {  	s4 =	sld [smem:$0x3FFC];
	_ =	sdelay $0x3  }
0x9a: {  	_ =	strace s4  }
0x9b: {  	s4 =	sld [smem:$0x3FFD];
	_ =	sdelay $0x3  }
0x9c: {  	_ =	strace s4  }
0x9d: {  	_ =	strace $0x8FFFFFFF  }
0x9e: {  	s18 =	sld [smem:$0x3FDB];
	_ =	sdelay $0x1  }
0x9f: {  	s19 =	simm.s32 $_scs_section_size  }
0xa0: {  	s6 =	simm.s32 $_size__tile_overlayer_lowered;
	s7 =	simm.s32 $_tile_overlayer_lowered  }
0xa1: {  	s22 =	simm.s32 $0x1BFF;
	s21 =	sshll.u32 s7, $0x1;
	s4 =	sadd.s32 s19, s18  }
0xa2: {  	s8 =	simm.s32 $0x0;
	s20 =	sshll.u32 s6, $0x1;
	s6 =	sadd.s32 s21, s4  }
0xa3: {  	[timem:s8], [sflag:s22] =	dma.local [hbm:s6], s20  }
0xa4: {  	_ =	swait.ge [sflag:s22], s20  }
0xa5: {  	s5 =	ssub.s32 $0x0, s20;
	[sflag:s22] =	ssyncset.done $0x0  }
0xa6: {  	[sflag:s22] =	ssyncadd.s32 s5;
	_ =	sdelay $0x1  }
0xa7: {  	s23 =	simm.s32 $0x1B8B  }
0xa8: {  	_ =	swait.ge [sflag:s23], $0x1  }
0xa9: {  	[sflag:s23] =	ssyncset.done $0x0  }
0xaa: {  	s25 =	simm.s32 $0x1B8E;
	s24 =	sld [smem:$0x3FFE];
	[sflag:s23] =	ssyncadd.s32 $0xFFFFFFFF  }
0xab: {  	s26 =	simm.s32 $execute0_lowered;
	[smem:$0x3FD2] =	sst s25  }
0xac: {  	s6 =	sshll.u32 s26, $0x1;
	_ =	strace $0x80000046;
	[dreg:$0x1] =	wrdreg $0xFFFFFFFF  }
0xad: {  	s28 =	simm.s32 $_size_execute0_lowered;
	s4 =	sadd.s32 s4, s6;
	[dreg:$0x0] =	wrdreg $0x0  }
0xae: {  	s6 =	sshll.u32 s28, $0x1;
	[dreg:$0x2] =	wrdreg s4  }
0xaf: {  	[dreg:$0x3] =	wrdreg s6  }
0xb0: {  	[dreg:$0x4] =	wrdreg $0xC0  }
0xb1: {  	_ =	task [dreg:s8], $0x5FFFF  }
0xb2: {  	[dreg:$0x1] =	wrdreg $0xFFFFFFFF  }
0xb3: {  	[dreg:$0x0] =	wrdreg $0x60  }
0xb4: {  	[dreg:$0x2] =	wrdreg s15  }
0xb5: {  	[dreg:$0x3] =	wrdreg s24  }
0xb6: {  	[dreg:$0x4] =	wrdreg s16  }
0xb7: {  	[dreg:$0x5] =	wrdreg $0x9  }
0xb8: {  	_ =	task.clear_ibuf [dreg:s8], $0x6FFFF;
	_ =	strace $0x90000046  }
0xb9: {  	s29 =	simm.s32 $0x9;
	_ =	strace $0x80000048  }
0xba: {  	_ =	swait.ge [sflag:s29], $0x1  }
0xbb: {  	[sflag:s29] =	ssyncadd.s32 $0xFFFFFFFF  }
0xbc: {  	_ =	strace $0x90000048  }
0xbd: {  	_ =	sfence  }
0xbe: {  	s30 =	sld [smem:$0x0];
	_ =	sdelay $0x2  }
0xbf: {  	s31 =	sshll.u32 s1, $0xD;
	s1 =	sshrl.u32 s1, $0x2  }
0xc0: {  	s3 =	sand.u32 $0x4000, s31;
	s1 =	sadd.s32 s1, s30  }
0xc1: {  	s0 =	sor.u32 s3, s0;
	s1 =	sshll.u32 s1, $0x11  }
0xc2: {  	s0 =	sor.u32 s1, s0  }
0xc3: {  	s0 =	sadd.s32 $0x8F2B, s0  }
0xc4: {  	[sflag:s0] =	ssyncadd.remote.s32 $0x1  }
0xc5: {  	_ =	sfence.sel $0xFFFF  }
0xc6: {  	[dreg:$0x0] =	wrdreg $0xFFFFFFFF;
	(pc) =	sbr.abs _section_cstart, $3  }
0xc7: {  	[dreg:$0x1] =	wrdreg $0xFFFFFFFF  }
0xc8: {  	_ =	task.clear_ibuf [dreg:s8], $0x2FFFF;
	_ =	strace $0x9FFFFFFF  }
0xc9: {  	(tm) =	ssettm $0x7FFFFFFF  }
tec
execute0_lowered:
.L_overlay_start_1:
0x0: {  	(tag) =	ssettag $0x1  }
0x1: {  	s1 =	rddreg [dreg:$0x0]  }
0x2: {  	s4 =	rddreg [dreg:$0x1]  }
0x3: {  	s5 =	rddreg [dreg:$0x2]  }
0x4: {  	s0 =	rddreg [dreg:$0x3];
	s3 =	simm.s32 $0x0;
	s6 =	srdreg.scid  }
0x5: {  	s2 =	stileid.u32;
	s10 =	simm.s32 $0x1080;
	s11 =	simm.s32 $0x1880  }
0x6: {  	s12 =	simm.s32 $0x2080;
	s13 =	simm.s32 $0x2880;
	s14 =	simm.s32 $0x3080  }
0x7: {  	s15 =	simm.s32 $0x3880;
	s16 =	simm.s32 $0x4080;
	s17 =	simm.s32 $0x4880  }
0x8: {  	s18 =	simm.s32 $0x5080;
	s19 =	simm.s32 $0x5880;
	s20 =	simm.s32 $0x6080  }
0x9: {  	s21 =	simm.s32 $0x6880;
	s22 =	simm.s32 $0x7080;
	s23 =	simm.s32 $0x7880  }
0xa: {  	s24 =	simm.s32 $0x1;
	[smem:$0x7FF] =	sst s3;
	s6 =	sand.u32 $0x1, s6  }
0xb: {  	s8 =	sshll.u32 s2, $0x8;
	s7 =	ssub.s32 $0x2, s6;
	s6 =	sshll.u32 s6, $0x7  }
0xc: {  	_ =	strace $0x80000047;
	s9 =	sshrl.u32 s7, $0x1;
	s6 =	sor.u32 s6, s8  }
0xd: {  	v2 =	vlaneseq.u32;
	s7 =	ssub.s32 s7, s9;
	s8 =	sshrl.u32 s6, $0x3;
	s6 =	sshll.u32 s6, $0x5  }
0xe: {  	vm0 =	vmmov $0xffff;
	v1 =	vshrl.u32 v2, $0x3;
	s9 =	simm.s32 $0x880;
	s4 =	sadd.s32 s4, s8;
	s5 =	sadd.s32 s5, s6  }
0xf: {  	v0 =	vand.u32 $0x7, v2;
	v2 =	vor.u32 $0x8, v2;
	v1 =	vmul.u32 $0x8, v1;
	s6 =	smax.u32 s7, $0x1;
	s7 =	simm.s32 $0x2;
	s8 =	simm.s32 $0x80  }
.LBB2_1:
0x10: {  	[tilespmem:s3], [sflag:$0x2] =	stream.linear.gather [hbm4b:s4+s3], $0x80, $0x38;
	[tilespmem:$0x8080] =	vst v63  }
0x11: {  	_ =	swait.ge [sflag:s7], $0x80  }
0x12: {  	[sflag:s7] =	ssyncset.done $0x0  }
0x13: {  	[sflag:s7] =	ssyncadd.s32 $0xFFFFFF80  }
0x14: {  	v3 =	vld [tilespmem:$0x0];
	_ =	sdelay $0x4  }
0x15: {  	v4 =	vshll.u32 v3, $0x1  }
0x16: {  	v3 =	vand.u32 $0x7, v3;
	v4 =	vand.u32 $0xFFFFFFF0, v4  }
0x17: {  	v3 =	vor.u32 v3, v4  }
0x18: {  	v4 =	vperm.xlane v3, v0;
	_ =	sdelay $0x1  }
0x19: {  	v3 =	vperm.xlane v3, v2;
	v4 =	vadd.s32 v1, v4;
	_ =	sdelay $0x1  }
0x1a: {  	v3 =	vadd.s32 v1, v3;
	_ =	sdelay $0x2  }
0x1b: {  	[tilespmem:s8], [sflag:$0x1] =	stream.indirect_vreg.gather [hbm4b:s1+s3], $0x80, v4, vm0, $0xb8;
	[tilespmem:$0x8080] =	vst v63  }
0x1c: {  	_ = 	snop  }
0x1d: {  	[tilespmem:s9], [sflag:$0x1] =	stream.indirect_vreg.gather [hbm4b:s1+s3], $0x80, v3, vm0, $0xb8;
	[tilespmem:$0x8080] =	vst v63  }
0x1e: {  	v3 =	vld [tilespmem:$0x10];
	_ =	sdelay $0x4  }
0x1f: {  	v57 =	vshll.u32 v3, $0x1  }
0x20: {  	v3 =	vand.u32 $0x7, v3;
	v4 =	vand.u32 $0xFFFFFFF0, v57  }
0x21: {  	v3 =	vor.u32 v3, v4  }
0x22: {  	v4 =	vperm.xlane v3, v0;
	_ =	sdelay $0x1  }
0x23: {  	v3 =	vperm.xlane v3, v2;
	v4 =	vadd.s32 v1, v4;
	_ =	sdelay $0x1  }
0x24: {  	v3 =	vadd.s32 v1, v3;
	_ =	sdelay $0x2  }
0x25: {  	[tilespmem:s10], [sflag:$0x1] =	stream.indirect_vreg.gather [hbm4b:s1+s3], $0x80, v4, vm0, $0xb8;
	[tilespmem:$0x8080] =	vst v63  }
0x26: {  	_ = 	snop  }
0x27: {  	[tilespmem:s11], [sflag:$0x1] =	stream.indirect_vreg.gather [hbm4b:s1+s3], $0x80, v3, vm0, $0xb8;
	[tilespmem:$0x8080] =	vst v63  }
0x28: {  	v3 =	vld [tilespmem:$0x20];
	_ =	sdelay $0x4  }
0x29: {  	v58 =	vshll.u32 v3, $0x1  }
0x2a: {  	v3 =	vand.u32 $0x7, v3;
	v4 =	vand.u32 $0xFFFFFFF0, v58  }
0x2b: {  	v3 =	vor.u32 v3, v4  }
0x2c: {  	v4 =	vperm.xlane v3, v0;
	_ =	sdelay $0x1  }
0x2d: {  	v3 =	vperm.xlane v3, v2;
	v4 =	vadd.s32 v1, v4;
	_ =	sdelay $0x1  }
0x2e: {  	v3 =	vadd.s32 v1, v3;
	_ =	sdelay $0x2  }
0x2f: {  	[tilespmem:s12], [sflag:$0x1] =	stream.indirect_vreg.gather [hbm4b:s1+s3], $0x80, v4, vm0, $0xb8;
	[tilespmem:$0x8080] =	vst v63  }
0x30: {  	_ = 	snop  }
0x31: {  	[tilespmem:s13], [sflag:$0x1] =	stream.indirect_vreg.gather [hbm4b:s1+s3], $0x80, v3, vm0, $0xb8;
	[tilespmem:$0x8080] =	vst v63  }
0x32: {  	v3 =	vld [tilespmem:$0x30];
	_ =	sdelay $0x4  }
0x33: {  	v59 =	vshll.u32 v3, $0x1  }
0x34: {  	v3 =	vand.u32 $0x7, v3;
	v4 =	vand.u32 $0xFFFFFFF0, v59  }
0x35: {  	v3 =	vor.u32 v3, v4  }
0x36: {  	v4 =	vperm.xlane v3, v0;
	_ =	sdelay $0x1  }
0x37: {  	v3 =	vperm.xlane v3, v2;
	v4 =	vadd.s32 v1, v4;
	_ =	sdelay $0x1  }
0x38: {  	v3 =	vadd.s32 v1, v3;
	_ =	sdelay $0x2  }
0x39: {  	[tilespmem:s14], [sflag:$0x1] =	stream.indirect_vreg.gather [hbm4b:s1+s3], $0x80, v4, vm0, $0xb8;
	[tilespmem:$0x8080] =	vst v63  }
0x3a: {  	_ = 	snop  }
0x3b: {  	[tilespmem:s15], [sflag:$0x1] =	stream.indirect_vreg.gather [hbm4b:s1+s3], $0x80, v3, vm0, $0xb8;
	[tilespmem:$0x8080] =	vst v63  }
0x3c: {  	v3 =	vld [tilespmem:$0x40];
	_ =	sdelay $0x4  }
0x3d: {  	v60 =	vshll.u32 v3, $0x1  }
0x3e: {  	v3 =	vand.u32 $0x7, v3;
	v4 =	vand.u32 $0xFFFFFFF0, v60  }
0x3f: {  	v3 =	vor.u32 v3, v4  }
0x40: {  	v4 =	vperm.xlane v3, v0;
	_ =	sdelay $0x1  }
0x41: {  	v3 =	vperm.xlane v3, v2;
	v4 =	vadd.s32 v1, v4;
	_ =	sdelay $0x1  }
0x42: {  	v3 =	vadd.s32 v1, v3;
	_ =	sdelay $0x2  }
0x43: {  	[tilespmem:s16], [sflag:$0x1] =	stream.indirect_vreg.gather [hbm4b:s1+s3], $0x80, v4, vm0, $0xb8;
	[tilespmem:$0x8080] =	vst v63  }
0x44: {  	_ = 	snop  }
0x45: {  	[tilespmem:s17], [sflag:$0x1] =	stream.indirect_vreg.gather [hbm4b:s1+s3], $0x80, v3, vm0, $0xb8;
	[tilespmem:$0x8080] =	vst v63  }
0x46: {  	v3 =	vld [tilespmem:$0x50];
	_ =	sdelay $0x4  }
0x47: {  	v61 =	vshll.u32 v3, $0x1  }
0x48: {  	v3 =	vand.u32 $0x7, v3;
	v4 =	vand.u32 $0xFFFFFFF0, v61  }
0x49: {  	v3 =	vor.u32 v3, v4  }
0x4a: {  	v4 =	vperm.xlane v3, v0;
	_ =	sdelay $0x1  }
0x4b: {  	v3 =	vperm.xlane v3, v2;
	v4 =	vadd.s32 v1, v4;
	_ =	sdelay $0x1  }
0x4c: {  	v3 =	vadd.s32 v1, v3;
	_ =	sdelay $0x2  }
0x4d: {  	[tilespmem:s18], [sflag:$0x1] =	stream.indirect_vreg.gather [hbm4b:s1+s3], $0x80, v4, vm0, $0xb8;
	[tilespmem:$0x8080] =	vst v63  }
0x4e: {  	_ = 	snop  }
0x4f: {  	[tilespmem:s19], [sflag:$0x1] =	stream.indirect_vreg.gather [hbm4b:s1+s3], $0x80, v3, vm0, $0xb8;
	[tilespmem:$0x8080] =	vst v63  }
0x50: {  	v3 =	vld [tilespmem:$0x60];
	_ =	sdelay $0x4  }
0x51: {  	v62 =	vshll.u32 v3, $0x1  }
0x52: {  	v3 =	vand.u32 $0x7, v3;
	v4 =	vand.u32 $0xFFFFFFF0, v62  }
0x53: {  	v3 =	vor.u32 v3, v4  }
0x54: {  	v4 =	vperm.xlane v3, v0;
	_ =	sdelay $0x1  }
0x55: {  	v3 =	vperm.xlane v3, v2;
	v4 =	vadd.s32 v1, v4;
	_ =	sdelay $0x1  }
0x56: {  	v3 =	vadd.s32 v1, v3;
	_ =	sdelay $0x2  }
0x57: {  	[tilespmem:s20], [sflag:$0x1] =	stream.indirect_vreg.gather [hbm4b:s1+s3], $0x80, v4, vm0, $0xb8;
	[tilespmem:$0x8080] =	vst v63  }
0x58: {  	_ = 	snop  }
0x59: {  	[tilespmem:s21], [sflag:$0x1] =	stream.indirect_vreg.gather [hbm4b:s1+s3], $0x80, v3, vm0, $0xb8;
	[tilespmem:$0x8080] =	vst v63  }
0x5a: {  	v3 =	vld [tilespmem:$0x70];
	_ =	sdelay $0x4  }
0x5b: {  	v63 =	vshll.u32 v3, $0x1  }
0x5c: {  	v3 =	vand.u32 $0x7, v3;
	v4 =	vand.u32 $0xFFFFFFF0, v63  }
0x5d: {  	v3 =	vor.u32 v3, v4  }
0x5e: {  	v4 =	vperm.xlane v3, v0;
	_ =	sdelay $0x1  }
0x5f: {  	v3 =	vperm.xlane v3, v2;
	v4 =	vadd.s32 v1, v4;
	_ =	sdelay $0x1  }
0x60: {  	v3 =	vadd.s32 v1, v3;
	_ =	sdelay $0x2  }
0x61: {  	[tilespmem:s22], [sflag:$0x1] =	stream.indirect_vreg.gather [hbm4b:s1+s3], $0x80, v4, vm0, $0xb8;
	[tilespmem:$0x8080] =	vst v63  }
0x62: {  	_ = 	snop  }
0x63: {  	[tilespmem:s23], [sflag:$0x1] =	stream.indirect_vreg.gather [hbm4b:s1+s3], $0x80, v3, vm0, $0xb8;
	[tilespmem:$0x8080] =	vst v63  }
0x64: {  	_ =	swait.ge [sflag:s24], $0x8000  }
0x65: {  	p0 =	sne.s32 s6, $0x1;
	[sflag:s24] =	ssyncset.done $0x0  }
.Ltmp0:
0x66: {  	[sflag:s24] =	ssyncadd.s32 $0xFFFF8000;
	(pc) =	sbr.rel @p0 .LBB2_1-.Ltmp0, $4  }
0x67: {  	[hbm4b:s5+s3] =	stream.linear.scatter [tilespmem:s8], [sflag:$0x2], $0x8000, $0x38;
	[tilespmem:$0x8080] =	vst v63  }
0x68: {  	_ =	swait.ge [sflag:s7], $0x8000  }
0x69: {  	[sflag:s7] =	ssyncset.done $0x0  }
0x6a: {  	s6 =	sadd.s32 $0xFFFFFFFF, s6;
	[sflag:s7] =	ssyncadd.s32 $0xFFFF8000  }
0x6b: {  	_ =	sfence.sel $0x180000  }
0x6c: {  	[bflag:$0x0] =	sbarrier.arrive $0xFFFF  }
0x6d: {  	p0 =	sne.s32 s2, $0x0;
	_ =	strace $0x90000047  }
0x6e: {  	s0 =	sadd.s32 @!p0 $0x100000, s0;
	[bflag:$0x2] =	sbarrier.arrive $0xFFFF  }
0x6f: {  	[sflag:s0] =	ssyncadd.tile.s32 @!p0 $0x1;
	_ =	shalt  }
.Lfunc_end2:
_tile_overlayer_lowered:
.L_overlay_start_2:
0x70: {  	(tag) =	ssettag $0x2  }
0x71: {  	s0 =	rddreg [dreg:$0x0];
	s2 =	stileid.u32  }
0x72: {  	s1 =	rddreg [dreg:$0x1];
	p0 =	sne.s32 s2, $0x0  }
0x73: {  	s3 =	rddreg [dreg:$0x2];
	[bflag:$0x3] =	sbarrier.arrive $0xFFFF;
	s2 =	simm.s32 @!p0 $0x1C02  }
0x74: {  	[timem:s3], [sflag:s2] =	dma.local @!p0 [hbm:s0], s1  }
0x75: {  	s0 =	simm.s32 @!p0 $0x2  }
0x76: {  	_ =	swait.ge @!p0 [sflag:s0], s1  }
0x77: {  	s1 =	ssub.s32 @!p0 $0x0, s1;
	[sflag:s0] =	ssyncset.done @!p0 $0x0  }
0x78: {  	[sflag:s0] =	ssyncadd.s32 @!p0 s1  }
0x79: {  	[bflag:$0x3] =	sbarrier.arrive $0xFFFF  }
0x7a: {  	_ =	shalt  }

</sc_bundles>
